<compile_context>
chip_gen: v7x
topology: tpu7x:2x2x1
jax: 0.10.2.dev20260603
libtpu: 0.0.44.dev20260713+nightly
codegen_flags: <defaults>
</compile_context>

<pallas_src>
import functools

import jax
import jax.numpy as jnp
import numpy as np
from jax import lax
from jax.experimental import pallas as pl
from jax.experimental.pallas import tpu as pltpu
from jax.experimental.pallas import tpu_sc as plsc

D = 128
BATCH = 4096
SEQ = 50
NTOK = BATCH * SEQ
NC, NS, LANES = 2, 16, 16
NW = NC * NS
COMBO_PAD = 10240
TOK_PER_W = NTOK // NW
CHUNK = 256
NCHUNK = TOK_PER_W // CHUNK
EPS = 1e-5

XROWS = NTOK * 4 // 128
XBLK = 800

_QW = np.zeros((128, 32), np.float32)
for _i in range(128):
    _QW[_i, _i // 4] = float(10 ** (3 - _i % 4))


def _combo_ids_body(x_ref, w_ref, o_ref):
    xf = x_ref[...].astype(jnp.float32)
    o_ref[...] = jax.lax.dot(
        xf, w_ref[...], precision=jax.lax.Precision.HIGHEST).astype(jnp.int32)


_combo_ids_call = pl.pallas_call(
    _combo_ids_body,
    grid=(XROWS // XBLK,),
    in_specs=[
        pl.BlockSpec((XBLK, 128), lambda i: (i, 0)),
        pl.BlockSpec((128, 32), lambda i: (0, 0)),
    ],
    out_specs=pl.BlockSpec((XBLK, 32), lambda i: (i, 0)),
    out_shape=jax.ShapeDtypeStruct((XROWS, 32), jnp.int32),
)


def _combo_ids(xr):
    return _combo_ids_call(xr, jnp.asarray(_QW))

TBLK = 1024


def _build_table_body(tw_ref, cw_ref, nw_ref, dw_ref, g_ref, b_ref, o_ref):
    i = pl.program_id(0)
    r = lax.broadcasted_iota(jnp.int32, (TBLK, 1), 0) + i * TBLK
    cols = lax.broadcasted_iota(jnp.int32, (TBLK, 16), 1)

    def onehot(idx):
        return (idx == cols).astype(jnp.float32)

    hp = jax.lax.Precision.HIGHEST
    emb = (
        jax.lax.dot(onehot(r // 1000), tw_ref[...], precision=hp)
        + jax.lax.dot(onehot((r // 100) % 10), cw_ref[...], precision=hp)
        + jax.lax.dot(onehot((r // 10) % 10), nw_ref[...], precision=hp)
        + jax.lax.dot(onehot(r % 10), dw_ref[...], precision=hp)
    )
    mean = jnp.mean(emb, axis=1, keepdims=True)
    cent = emb - mean
    var = jnp.mean(cent * cent, axis=1, keepdims=True)
    xhat = cent * lax.rsqrt(var + EPS)
    o_ref[...] = xhat * g_ref[...] + b_ref[...]


_build_table = pl.pallas_call(
    _build_table_body,
    grid=(COMBO_PAD // TBLK,),
    in_specs=[
        pl.BlockSpec((16, D), lambda i: (0, 0)),
        pl.BlockSpec((16, D), lambda i: (0, 0)),
        pl.BlockSpec((16, D), lambda i: (0, 0)),
        pl.BlockSpec((16, D), lambda i: (0, 0)),
        pl.BlockSpec((1, D), lambda i: (0, 0)),
        pl.BlockSpec((1, D), lambda i: (0, 0)),
    ],
    out_specs=pl.BlockSpec((TBLK, D), lambda i: (i, 0)),
    out_shape=jax.ShapeDtypeStruct((COMBO_PAD, D), jnp.float32),
)



def _mesh():
    return plsc.VectorSubcoreMesh(
        core_axis_name="c", subcore_axis_name="s",
        num_cores=NC, num_subcores=NS)


@functools.partial(
    pl.kernel,
    out_type=jax.ShapeDtypeStruct((NTOK, D), jnp.float32),
    mesh=_mesh(),
    scratch_types=[
        pltpu.VMEM((CHUNK,), jnp.int32),
        pltpu.VMEM((CHUNK,), jnp.int32),
        pltpu.VMEM((CHUNK, D), jnp.float32),
        pltpu.VMEM((CHUNK, D), jnp.float32),
        pltpu.SemaphoreType.DMA,
        pltpu.SemaphoreType.DMA,
        pltpu.SemaphoreType.DMA,
        pltpu.SemaphoreType.DMA,
        pltpu.SemaphoreType.DMA,
        pltpu.SemaphoreType.DMA,
    ],
)
def _lookup(table_h, cid_h, out_h,
            combo_a, combo_b, rows_a, rows_b,
            sem_ga, sem_gb, sem_oa, sem_ob, sem_ca, sem_cb):
    wid = lax.axis_index("s") * NC + lax.axis_index("c")
    tok0 = wid * TOK_PER_W
    combos = (combo_a, combo_b)
    rows = (rows_a, rows_b)
    sem_g = (sem_ga, sem_gb)
    sem_o = (sem_oa, sem_ob)
    sem_c = (sem_ca, sem_cb)

    def cid_copy(t0, p):
        return pltpu.make_async_copy(
            cid_h.at[pl.ds(t0, CHUNK)], combos[p], sem_c[p])

    def gather_copies(p):
        c0 = pltpu.make_async_copy(table_h.at[combos[p].at[pl.ds(0, 128)]],
                                   rows[p].at[pl.ds(0, 128)], sem_g[p])
        c1 = pltpu.make_async_copy(table_h.at[combos[p].at[pl.ds(128, 128)]],
                                   rows[p].at[pl.ds(128, 128)], sem_g[p])
        return c0, c1

    def out_copy(t0, p):
        return pltpu.make_async_copy(rows[p], out_h.at[pl.ds(t0, CHUNK)],
                                     sem_o[p])

    def stage(t0, p, next_t0):
        for c in gather_copies(p):
            c.wait()
        out_copy(t0, p).start()
        if next_t0 is not None:
            cid_copy(next_t0, p).start()
            cid_copy(next_t0, p).wait()
        out_copy(t0, p).wait()
        if next_t0 is not None:
            for c in gather_copies(p):
                c.start()

    cid_copy(tok0, 0).start()
    cid_copy(tok0, 0).wait()
    for c in gather_copies(0):
        c.start()
    cid_copy(tok0 + CHUNK, 1).start()
    cid_copy(tok0 + CHUNK, 1).wait()
    for c in gather_copies(1):
        c.start()

    def body(k, carry):
        t0 = tok0 + (2 * k) * CHUNK
        stage(t0, 0, t0 + 2 * CHUNK)
        stage(t0 + CHUNK, 1, t0 + 3 * CHUNK)
        return carry

    lax.fori_loop(0, (NCHUNK - 5) // 2, body, 0)
    t20 = tok0 + (NCHUNK - 5) * CHUNK
    stage(t20, 0, t20 + 2 * CHUNK)
    stage(t20 + CHUNK, 1, t20 + 3 * CHUNK)
    stage(t20 + 2 * CHUNK, 0, t20 + 4 * CHUNK)
    stage(t20 + 3 * CHUNK, 1, None)
    stage(t20 + 4 * CHUNK, 0, None)


def _pad16(w):
    return jnp.zeros((16, D), jnp.float32).at[: w.shape[0]].set(w)


def kernel(x, type_w, color_w, num_w, dup_w, ln_g, ln_b):
    table = _build_table(
        _pad16(type_w), _pad16(color_w), _pad16(num_w), _pad16(dup_w),
        ln_g.reshape(1, D), ln_b.reshape(1, D))
    cids = _combo_ids(x.reshape(XROWS, 128)).reshape(NTOK)
    out = _lookup(table, cids)
    return out.reshape(BATCH, SEQ, D)

# --- scband reference (transcript-rebuilt; emitter-appended) ---
"""Pipeline reference for scband-embedding-37460704756109 (READ-ONLY COPY).

The authoritative reference and input builder live on the scoring server;
editing this copy changes nothing except your own understanding.
"""

import jax, jax.numpy as jnp
import numpy as np

D_MODEL = 128
B = 4096
L = 50


def _layer_norm(x, gamma, beta, eps=1e-5):
    mean = jnp.mean(x, axis=-1, keepdims=True)
    var = jnp.mean((x - mean) ** 2, axis=-1, keepdims=True)
    xhat = (x - mean) / jnp.sqrt(var + eps)
    return xhat * gamma + beta


def setup_inputs(seed: int = 0) -> dict:
    key = jax.random.key(seed)
    k_x, k_t, k_c, k_n, k_d = jax.random.split(key, 5)
    x = jax.random.randint(k_x, (B, L, 4), 0, 10, dtype=jnp.int32)
    # Embedding tables (padding_idx=0 -> row 0 zeroed, as in torch init semantics for lookup)
    type_w = jax.random.normal(k_t, (11, D_MODEL), dtype=jnp.float32).at[0].set(0.0)
    color_w = jax.random.normal(k_c, (11, D_MODEL), dtype=jnp.float32).at[0].set(0.0)
    num_w = jax.random.normal(k_n, (10, D_MODEL), dtype=jnp.float32).at[0].set(0.0)
    dup_w = jax.random.normal(k_d, (10, D_MODEL), dtype=jnp.float32).at[0].set(0.0)
    ln_g = jnp.ones((D_MODEL,), dtype=jnp.float32)
    ln_b = jnp.zeros((D_MODEL,), dtype=jnp.float32)
    return {
        "x": x,
        "type_w": type_w,
        "color_w": color_w,
        "num_w": num_w,
        "dup_w": dup_w,
        "ln_g": ln_g,
        "ln_b": ln_b,
    }


def reference(x, type_w, color_w, num_w, dup_w, ln_g, ln_b):
    emb = (
        jnp.take(type_w, x[:, :, 0], axis=0)
        + jnp.take(color_w, x[:, :, 1], axis=0)
        + jnp.take(num_w, x[:, :, 2], axis=0)
        + jnp.take(dup_w, x[:, :, 3], axis=0)
    )
    return _layer_norm(emb, ln_g, ln_b)

if __name__ == "__main__":
    import jax
    _d = setup_inputs()
    print(jax.jit(kernel)(*tuple(_d.values())))

</pallas_src>

<mosaic_0001>
#map = affine_map<(d0, d1) -> (0, 0)>
#map1 = affine_map<(d0, d1) -> (0)>
module attributes {stable_mosaic.version = 14 : i64} {
  func.func @_lookup(%arg0: i32, %arg1: i32, %arg2: memref<10240x128xf32, #tpu.memory_space<hbm>>, %arg3: memref<204800xi32, #tpu.memory_space<hbm>>, %arg4: memref<204800x128xf32, #tpu.memory_space<hbm>>, %arg5: memref<256xi32, #tpu.memory_space<vmem>>, %arg6: memref<256xi32, #tpu.memory_space<vmem>>, %arg7: memref<256x128xf32, #tpu.memory_space<vmem>>, %arg8: memref<256x128xf32, #tpu.memory_space<vmem>>, %arg9: memref<!tpu.dma_semaphore, #tpu.memory_space<semaphore_mem>>, %arg10: memref<!tpu.dma_semaphore, #tpu.memory_space<semaphore_mem>>, %arg11: memref<!tpu.dma_semaphore, #tpu.memory_space<semaphore_mem>>, %arg12: memref<!tpu.dma_semaphore, #tpu.memory_space<semaphore_mem>>, %arg13: memref<!tpu.dma_semaphore, #tpu.memory_space<semaphore_mem>>, %arg14: memref<!tpu.dma_semaphore, #tpu.memory_space<semaphore_mem>>) attributes {dimension_semantics = [#tpu.dimension_semantics<core_parallel>, #tpu.dimension_semantics<subcore_parallel>], iteration_bounds = array<i64: 2, 16>, scalar_prefetch = 0 : i64, scratch_operands = 10 : i64, tpu.core_type = #tpu.core_type<sc_vector_subcore>, window_params = [{transform_indices = #map}, {transform_indices = #map1}, {transform_indices = #map}]} {
    %mul3A = arith.constant 2 : i32
    %mul3A_0 = arith.muli %arg1, %mul3A : i32
    %add3A = arith.addi %mul3A_0, %arg0 : i32
    %mul3A_1 = arith.constant 6400 : i32
    %mul3A_2 = arith.muli %add3A, %mul3A_1 : i32
    %dma_start3A = tpu.memref_slice %arg3[%mul3A_2] : memref<204800xi32, #tpu.memory_space<hbm>> -> memref<256xi32, #tpu.memory_space<hbm>>
    %dma_start3A_3 = tpu.memref_slice %arg3[%mul3A_2] : memref<204800xi32, #tpu.memory_space<hbm>> -> memref<256xi32, #tpu.memory_space<hbm>>
    tpu.enqueue_dma source(%dma_start3A_3 : memref<256xi32, #tpu.memory_space<hbm>>) target(%arg5 : memref<256xi32, #tpu.memory_space<vmem>>) target_semaphore(%arg13 : memref<!tpu.dma_semaphore, #tpu.memory_space<semaphore_mem>>)
    %dma_wait3A = tpu.memref_slice %arg3[%mul3A_2] : memref<204800xi32, #tpu.memory_space<hbm>> -> memref<256xi32, #tpu.memory_space<hbm>>
    %dma_wait3A_4 = tpu.memref_slice %arg3[%mul3A_2] : memref<204800xi32, #tpu.memory_space<hbm>> -> memref<256xi32, #tpu.memory_space<hbm>>
    tpu.wait_dma2 semaphore(%arg13 : memref<!tpu.dma_semaphore, #tpu.memory_space<semaphore_mem>>) src(%dma_wait3A_4 : memref<256xi32, #tpu.memory_space<hbm>>) dst(%arg5 : memref<256xi32, #tpu.memory_space<vmem>>)
    %dma_start3A_5 = arith.constant 0 : i32
    %dma_start3A_6 = arith.constant 0 : i32
    %dma_start3A_7 = tpu.memref_slice %arg7[%dma_start3A_5, %dma_start3A_6] : memref<256x128xf32, #tpu.memory_space<vmem>> -> memref<128x128xf32, #tpu.memory_space<vmem>>
    %dma_start3A_8 = arith.constant 0 : i32
    %dma_start3A_9 = tpu.memref_slice %arg5[%dma_start3A_8] : memref<256xi32, #tpu.memory_space<vmem>> -> memref<128xi32, #tpu.memory_space<vmem>>
    %dma_start3A_10 = arith.constant 0 : i32
    %dma_start3A_11 = arith.constant 0 : i32
    %dma_start3A_12 = tpu.memref_slice %arg2[%dma_start3A_10, %dma_start3A_11] : memref<10240x128xf32, #tpu.memory_space<hbm>> -> memref<10240x128xf32, #tpu.memory_space<hbm>>
    tpu.enqueue_indirect_dma source(%dma_start3A_12 : memref<10240x128xf32, #tpu.memory_space<hbm>>) target(%dma_start3A_7 : memref<128x128xf32, #tpu.memory_space<vmem>>) offsets(%dma_start3A_9 : memref<128xi32, #tpu.memory_space<vmem>>) semaphore(%arg9 : memref<!tpu.dma_semaphore, #tpu.memory_space<semaphore_mem>>)
    %dma_start3A_13 = arith.constant 128 : i32
    %dma_start3A_14 = arith.constant 0 : i32
    %dma_start3A_15 = tpu.memref_slice %arg7[%dma_start3A_13, %dma_start3A_14] : memref<256x128xf32, #tpu.memory_space<vmem>> -> memref<128x128xf32, #tpu.memory_space<vmem>>
    %dma_start3A_16 = arith.constant 128 : i32
    %dma_start3A_17 = tpu.memref_slice %arg5[%dma_start3A_16] : memref<256xi32, #tpu.memory_space<vmem>> -> memref<128xi32, #tpu.memory_space<vmem>>
    %dma_start3A_18 = arith.constant 0 : i32
    %dma_start3A_19 = arith.constant 0 : i32
    %dma_start3A_20 = tpu.memref_slice %arg2[%dma_start3A_18, %dma_start3A_19] : memref<10240x128xf32, #tpu.memory_space<hbm>> -> memref<10240x128xf32, #tpu.memory_space<hbm>>
    tpu.enqueue_indirect_dma source(%dma_start3A_20 : memref<10240x128xf32, #tpu.memory_space<hbm>>) target(%dma_start3A_15 : memref<128x128xf32, #tpu.memory_space<vmem>>) offsets(%dma_start3A_17 : memref<128xi32, #tpu.memory_space<vmem>>) semaphore(%arg9 : memref<!tpu.dma_semaphore, #tpu.memory_space<semaphore_mem>>)
    %add3A_21 = arith.constant 256 : i32
    %add3A_22 = arith.addi %mul3A_2, %add3A_21 : i32
    %dma_start3A_23 = tpu.memref_slice %arg3[%add3A_22] : memref<204800xi32, #tpu.memory_space<hbm>> -> memref<256xi32, #tpu.memory_space<hbm>>
    %dma_start3A_24 = tpu.memref_slice %arg3[%add3A_22] : memref<204800xi32, #tpu.memory_space<hbm>> -> memref<256xi32, #tpu.memory_space<hbm>>
    tpu.enqueue_dma source(%dma_start3A_24 : memref<256xi32, #tpu.memory_space<hbm>>) target(%arg6 : memref<256xi32, #tpu.memory_space<vmem>>) target_semaphore(%arg14 : memref<!tpu.dma_semaphore, #tpu.memory_space<semaphore_mem>>)
    %add3A_25 = arith.constant 256 : i32
    %add3A_26 = arith.addi %mul3A_2, %add3A_25 : i32
    %dma_wait3A_27 = tpu.memref_slice %arg3[%add3A_26] : memref<204800xi32, #tpu.memory_space<hbm>> -> memref<256xi32, #tpu.memory_space<hbm>>
    %dma_wait3A_28 = tpu.memref_slice %arg3[%add3A_26] : memref<204800xi32, #tpu.memory_space<hbm>> -> memref<256xi32, #tpu.memory_space<hbm>>
    tpu.wait_dma2 semaphore(%arg14 : memref<!tpu.dma_semaphore, #tpu.memory_space<semaphore_mem>>) src(%dma_wait3A_28 : memref<256xi32, #tpu.memory_space<hbm>>) dst(%arg6 : memref<256xi32, #tpu.memory_space<vmem>>)
    %dma_start3A_29 = arith.constant 0 : i32
    %dma_start3A_30 = arith.constant 0 : i32
    %dma_start3A_31 = tpu.memref_slice %arg8[%dma_start3A_29, %dma_start3A_30] : memref<256x128xf32, #tpu.memory_space<vmem>> -> memref<128x128xf32, #tpu.memory_space<vmem>>
    %dma_start3A_32 = arith.constant 0 : i32
    %dma_start3A_33 = tpu.memref_slice %arg6[%dma_start3A_32] : memref<256xi32, #tpu.memory_space<vmem>> -> memref<128xi32, #tpu.memory_space<vmem>>
    %dma_start3A_34 = arith.constant 0 : i32
    %dma_start3A_35 = arith.constant 0 : i32
    %dma_start3A_36 = tpu.memref_slice %arg2[%dma_start3A_34, %dma_start3A_35] : memref<10240x128xf32, #tpu.memory_space<hbm>> -> memref<10240x128xf32, #tpu.memory_space<hbm>>
    tpu.enqueue_indirect_dma source(%dma_start3A_36 : memref<10240x128xf32, #tpu.memory_space<hbm>>) target(%dma_start3A_31 : memref<128x128xf32, #tpu.memory_space<vmem>>) offsets(%dma_start3A_33 : memref<128xi32, #tpu.memory_space<vmem>>) semaphore(%arg10 : memref<!tpu.dma_semaphore, #tpu.memory_space<semaphore_mem>>)
    %dma_start3A_37 = arith.constant 128 : i32
    %dma_start3A_38 = arith.constant 0 : i32
    %dma_start3A_39 = tpu.memref_slice %arg8[%dma_start3A_37, %dma_start3A_38] : memref<256x128xf32, #tpu.memory_space<vmem>> -> memref<128x128xf32, #tpu.memory_space<vmem>>
    %dma_start3A_40 = arith.constant 128 : i32
    %dma_start3A_41 = tpu.memref_slice %arg6[%dma_start3A_40] : memref<256xi32, #tpu.memory_space<vmem>> -> memref<128xi32, #tpu.memory_space<vmem>>
    %dma_start3A_42 = arith.constant 0 : i32
    %dma_start3A_43 = arith.constant 0 : i32
    %dma_start3A_44 = tpu.memref_slice %arg2[%dma_start3A_42, %dma_start3A_43] : memref<10240x128xf32, #tpu.memory_space<hbm>> -> memref<10240x128xf32, #tpu.memory_space<hbm>>
    tpu.enqueue_indirect_dma source(%dma_start3A_44 : memref<10240x128xf32, #tpu.memory_space<hbm>>) target(%dma_start3A_39 : memref<128x128xf32, #tpu.memory_space<vmem>>) offsets(%dma_start3A_41 : memref<128xi32, #tpu.memory_space<vmem>>) semaphore(%arg10 : memref<!tpu.dma_semaphore, #tpu.memory_space<semaphore_mem>>)
    %scan3A = arith.constant 0 : i32
    %scan3A_45 = arith.constant 0 : i32
    %scan3A_46 = arith.constant 10 : i32
    %scan3A_47 = arith.addi %scan3A_45, %scan3A_46 : i32
    %scan3A_48 = arith.constant 1 : i32
    scf.for %scan3A_246 = %scan3A_45 to %scan3A_47 step %scan3A_48  : i32 {
      %mul3A_247 = arith.constant 2 : i32
      %mul3A_248 = arith.muli %mul3A_247, %scan3A_246 : i32
      %mul3A_249 = arith.constant 256 : i32
      %mul3A_250 = arith.muli %mul3A_248, %mul3A_249 : i32
      %add3A_251 = arith.addi %mul3A_2, %mul3A_250 : i32
      %add3A_252 = arith.constant 512 : i32
      %add3A_253 = arith.addi %add3A_251, %add3A_252 : i32
      %dma_wait3A_254 = arith.constant 0 : i32
      %dma_wait3A_255 = arith.constant 0 : i32
      %dma_wait3A_256 = tpu.memref_slice %arg7[%dma_wait3A_254, %dma_wait3A_255] : memref<256x128xf32, #tpu.memory_space<vmem>> -> memref<128x128xf32, #tpu.memory_space<vmem>>
      %dma_wait3A_257 = arith.constant 0 : i32
      %dma_wait3A_258 = tpu.memref_slice %arg5[%dma_wait3A_257] : memref<256xi32, #tpu.memory_space<vmem>> -> memref<128xi32, #tpu.memory_space<vmem>>
      %dma_wait3A_259 = arith.constant 0 : i32
      %dma_wait3A_260 = arith.constant 0 : i32
      %dma_wait3A_261 = tpu.memref_slice %arg2[%dma_wait3A_259, %dma_wait3A_260] : memref<10240x128xf32, #tpu.memory_space<hbm>> -> memref<10240x128xf32, #tpu.memory_space<hbm>>
      tpu.wait_indirect_dma semaphore(%arg9 : memref<!tpu.dma_semaphore, #tpu.memory_space<semaphore_mem>>) src(%dma_wait3A_261 : memref<10240x128xf32, #tpu.memory_space<hbm>>) dst(%dma_wait3A_256 : memref<128x128xf32, #tpu.memory_space<vmem>>)
      %dma_wait3A_262 = arith.constant 128 : i32
      %dma_wait3A_263 = arith.constant 0 : i32
      %dma_wait3A_264 = tpu.memref_slice %arg7[%dma_wait3A_262, %dma_wait3A_263] : memref<256x128xf32, #tpu.memory_space<vmem>> -> memref<128x128xf32, #tpu.memory_space<vmem>>
      %dma_wait3A_265 = arith.constant 128 : i32
      %dma_wait3A_266 = tpu.memref_slice %arg5[%dma_wait3A_265] : memref<256xi32, #tpu.memory_space<vmem>> -> memref<128xi32, #tpu.memory_space<vmem>>
      %dma_wait3A_267 = arith.constant 0 : i32
      %dma_wait3A_268 = arith.constant 0 : i32
      %dma_wait3A_269 = tpu.memref_slice %arg2[%dma_wait3A_267, %dma_wait3A_268] : memref<10240x128xf32, #tpu.memory_space<hbm>> -> memref<10240x128xf32, #tpu.memory_space<hbm>>
      tpu.wait_indirect_dma semaphore(%arg9 : memref<!tpu.dma_semaphore, #tpu.memory_space<semaphore_mem>>) src(%dma_wait3A_269 : memref<10240x128xf32, #tpu.memory_space<hbm>>) dst(%dma_wait3A_264 : memref<128x128xf32, #tpu.memory_space<vmem>>)
      %dma_start3A_270 = arith.constant 0 : i32
      %dma_start3A_271 = tpu.memref_slice %arg4[%add3A_251, %dma_start3A_270] : memref<204800x128xf32, #tpu.memory_space<hbm>> -> memref<256x128xf32, #tpu.memory_space<hbm>>
      %dma_start3A_272 = arith.constant 0 : i32
      %dma_start3A_273 = tpu.memref_slice %arg4[%add3A_251, %dma_start3A_272] : memref<204800x128xf32, #tpu.memory_space<hbm>> -> memref<256x128xf32, #tpu.memory_space<hbm>>
      tpu.enqueue_dma source(%arg7 : memref<256x128xf32, #tpu.memory_space<vmem>>) target(%dma_start3A_273 : memref<256x128xf32, #tpu.memory_space<hbm>>) target_semaphore(%arg11 : memref<!tpu.dma_semaphore, #tpu.memory_space<semaphore_mem>>)
      %dma_start3A_274 = tpu.memref_slice %arg3[%add3A_253] : memref<204800xi32, #tpu.memory_space<hbm>> -> memref<256xi32, #tpu.memory_space<hbm>>
      %dma_start3A_275 = tpu.memref_slice %arg3[%add3A_253] : memref<204800xi32, #tpu.memory_space<hbm>> -> memref<256xi32, #tpu.memory_space<hbm>>
      tpu.enqueue_dma source(%dma_start3A_275 : memref<256xi32, #tpu.memory_space<hbm>>) target(%arg5 : memref<256xi32, #tpu.memory_space<vmem>>) target_semaphore(%arg13 : memref<!tpu.dma_semaphore, #tpu.memory_space<semaphore_mem>>)
      %dma_wait3A_276 = tpu.memref_slice %arg3[%add3A_253] : memref<204800xi32, #tpu.memory_space<hbm>> -> memref<256xi32, #tpu.memory_space<hbm>>
      %dma_wait3A_277 = tpu.memref_slice %arg3[%add3A_253] : memref<204800xi32, #tpu.memory_space<hbm>> -> memref<256xi32, #tpu.memory_space<hbm>>
      tpu.wait_dma2 semaphore(%arg13 : memref<!tpu.dma_semaphore, #tpu.memory_space<semaphore_mem>>) src(%dma_wait3A_277 : memref<256xi32, #tpu.memory_space<hbm>>) dst(%arg5 : memref<256xi32, #tpu.memory_space<vmem>>)
      %dma_wait3A_278 = arith.constant 0 : i32
      %dma_wait3A_279 = tpu.memref_slice %arg4[%add3A_251, %dma_wait3A_278] : memref<204800x128xf32, #tpu.memory_space<hbm>> -> memref<256x128xf32, #tpu.memory_space<hbm>>
      %dma_wait3A_280 = arith.constant 0 : i32
      %dma_wait3A_281 = tpu.memref_slice %arg4[%add3A_251, %dma_wait3A_280] : memref<204800x128xf32, #tpu.memory_space<hbm>> -> memref<256x128xf32, #tpu.memory_space<hbm>>
      tpu.wait_dma2 semaphore(%arg11 : memref<!tpu.dma_semaphore, #tpu.memory_space<semaphore_mem>>) src(%arg7 : memref<256x128xf32, #tpu.memory_space<vmem>>) dst(%dma_wait3A_281 : memref<256x128xf32, #tpu.memory_space<hbm>>)
      %dma_start3A_282 = arith.constant 0 : i32
      %dma_start3A_283 = arith.constant 0 : i32
      %dma_start3A_284 = tpu.memref_slice %arg7[%dma_start3A_282, %dma_start3A_283] : memref<256x128xf32, #tpu.memory_space<vmem>> -> memref<128x128xf32, #tpu.memory_space<vmem>>
      %dma_start3A_285 = arith.constant 0 : i32
      %dma_start3A_286 = tpu.memref_slice %arg5[%dma_start3A_285] : memref<256xi32, #tpu.memory_space<vmem>> -> memref<128xi32, #tpu.memory_space<vmem>>
      %dma_start3A_287 = arith.constant 0 : i32
      %dma_start3A_288 = arith.constant 0 : i32
      %dma_start3A_289 = tpu.memref_slice %arg2[%dma_start3A_287, %dma_start3A_288] : memref<10240x128xf32, #tpu.memory_space<hbm>> -> memref<10240x128xf32, #tpu.memory_space<hbm>>
      tpu.enqueue_indirect_dma source(%dma_start3A_289 : memref<10240x128xf32, #tpu.memory_space<hbm>>) target(%dma_start3A_284 : memref<128x128xf32, #tpu.memory_space<vmem>>) offsets(%dma_start3A_286 : memref<128xi32, #tpu.memory_space<vmem>>) semaphore(%arg9 : memref<!tpu.dma_semaphore, #tpu.memory_space<semaphore_mem>>)
      %dma_start3A_290 = arith.constant 128 : i32
      %dma_start3A_291 = arith.constant 0 : i32
      %dma_start3A_292 = tpu.memref_slice %arg7[%dma_start3A_290, %dma_start3A_291] : memref<256x128xf32, #tpu.memory_space<vmem>> -> memref<128x128xf32, #tpu.memory_space<vmem>>
      %dma_start3A_293 = arith.constant 128 : i32
      %dma_start3A_294 = tpu.memref_slice %arg5[%dma_start3A_293] : memref<256xi32, #tpu.memory_space<vmem>> -> memref<128xi32, #tpu.memory_space<vmem>>
      %dma_start3A_295 = arith.constant 0 : i32
      %dma_start3A_296 = arith.constant 0 : i32
      %dma_start3A_297 = tpu.memref_slice %arg2[%dma_start3A_295, %dma_start3A_296] : memref<10240x128xf32, #tpu.memory_space<hbm>> -> memref<10240x128xf32, #tpu.memory_space<hbm>>
      tpu.enqueue_indirect_dma source(%dma_start3A_297 : memref<10240x128xf32, #tpu.memory_space<hbm>>) target(%dma_start3A_292 : memref<128x128xf32, #tpu.memory_space<vmem>>) offsets(%dma_start3A_294 : memref<128xi32, #tpu.memory_space<vmem>>) semaphore(%arg9 : memref<!tpu.dma_semaphore, #tpu.memory_space<semaphore_mem>>)
      %add3A_298 = arith.constant 256 : i32
      %add3A_299 = arith.addi %add3A_251, %add3A_298 : i32
      %add3A_300 = arith.constant 768 : i32
      %add3A_301 = arith.addi %add3A_251, %add3A_300 : i32
      %dma_wait3A_302 = arith.constant 0 : i32
      %dma_wait3A_303 = arith.constant 0 : i32
      %dma_wait3A_304 = tpu.memref_slice %arg8[%dma_wait3A_302, %dma_wait3A_303] : memref<256x128xf32, #tpu.memory_space<vmem>> -> memref<128x128xf32, #tpu.memory_space<vmem>>
      %dma_wait3A_305 = arith.constant 0 : i32
      %dma_wait3A_306 = tpu.memref_slice %arg6[%dma_wait3A_305] : memref<256xi32, #tpu.memory_space<vmem>> -> memref<128xi32, #tpu.memory_space<vmem>>
      %dma_wait3A_307 = arith.constant 0 : i32
      %dma_wait3A_308 = arith.constant 0 : i32
      %dma_wait3A_309 = tpu.memref_slice %arg2[%dma_wait3A_307, %dma_wait3A_308] : memref<10240x128xf32, #tpu.memory_space<hbm>> -> memref<10240x128xf32, #tpu.memory_space<hbm>>
      tpu.wait_indirect_dma semaphore(%arg10 : memref<!tpu.dma_semaphore, #tpu.memory_space<semaphore_mem>>) src(%dma_wait3A_309 : memref<10240x128xf32, #tpu.memory_space<hbm>>) dst(%dma_wait3A_304 : memref<128x128xf32, #tpu.memory_space<vmem>>)
      %dma_wait3A_310 = arith.constant 128 : i32
      %dma_wait3A_311 = arith.constant 0 : i32
      %dma_wait3A_312 = tpu.memref_slice %arg8[%dma_wait3A_310, %dma_wait3A_311] : memref<256x128xf32, #tpu.memory_space<vmem>> -> memref<128x128xf32, #tpu.memory_space<vmem>>
      %dma_wait3A_313 = arith.constant 128 : i32
      %dma_wait3A_314 = tpu.memref_slice %arg6[%dma_wait3A_313] : memref<256xi32, #tpu.memory_space<vmem>> -> memref<128xi32, #tpu.memory_space<vmem>>
      %dma_wait3A_315 = arith.constant 0 : i32
      %dma_wait3A_316 = arith.constant 0 : i32
      %dma_wait3A_317 = tpu.memref_slice %arg2[%dma_wait3A_315, %dma_wait3A_316] : memref<10240x128xf32, #tpu.memory_space<hbm>> -> memref<10240x128xf32, #tpu.memory_space<hbm>>
      tpu.wait_indirect_dma semaphore(%arg10 : memref<!tpu.dma_semaphore, #tpu.memory_space<semaphore_mem>>) src(%dma_wait3A_317 : memref<10240x128xf32, #tpu.memory_space<hbm>>) dst(%dma_wait3A_312 : memref<128x128xf32, #tpu.memory_space<vmem>>)
      %dma_start3A_318 = arith.constant 0 : i32
      %dma_start3A_319 = tpu.memref_slice %arg4[%add3A_299, %dma_start3A_318] : memref<204800x128xf32, #tpu.memory_space<hbm>> -> memref<256x128xf32, #tpu.memory_space<hbm>>
      %dma_start3A_320 = arith.constant 0 : i32
      %dma_start3A_321 = tpu.memref_slice %arg4[%add3A_299, %dma_start3A_320] : memref<204800x128xf32, #tpu.memory_space<hbm>> -> memref<256x128xf32, #tpu.memory_space<hbm>>
      tpu.enqueue_dma source(%arg8 : memref<256x128xf32, #tpu.memory_space<vmem>>) target(%dma_start3A_321 : memref<256x128xf32, #tpu.memory_space<hbm>>) target_semaphore(%arg12 : memref<!tpu.dma_semaphore, #tpu.memory_space<semaphore_mem>>)
      %dma_start3A_322 = tpu.memref_slice %arg3[%add3A_301] : memref<204800xi32, #tpu.memory_space<hbm>> -> memref<256xi32, #tpu.memory_space<hbm>>
      %dma_start3A_323 = tpu.memref_slice %arg3[%add3A_301] : memref<204800xi32, #tpu.memory_space<hbm>> -> memref<256xi32, #tpu.memory_space<hbm>>
      tpu.enqueue_dma source(%dma_start3A_323 : memref<256xi32, #tpu.memory_space<hbm>>) target(%arg6 : memref<256xi32, #tpu.memory_space<vmem>>) target_semaphore(%arg14 : memref<!tpu.dma_semaphore, #tpu.memory_space<semaphore_mem>>)
      %dma_wait3A_324 = tpu.memref_slice %arg3[%add3A_301] : memref<204800xi32, #tpu.memory_space<hbm>> -> memref<256xi32, #tpu.memory_space<hbm>>
      %dma_wait3A_325 = tpu.memref_slice %arg3[%add3A_301] : memref<204800xi32, #tpu.memory_space<hbm>> -> memref<256xi32, #tpu.memory_space<hbm>>
      tpu.wait_dma2 semaphore(%arg14 : memref<!tpu.dma_semaphore, #tpu.memory_space<semaphore_mem>>) src(%dma_wait3A_325 : memref<256xi32, #tpu.memory_space<hbm>>) dst(%arg6 : memref<256xi32, #tpu.memory_space<vmem>>)
      %dma_wait3A_326 = arith.constant 0 : i32
      %dma_wait3A_327 = tpu.memref_slice %arg4[%add3A_299, %dma_wait3A_326] : memref<204800x128xf32, #tpu.memory_space<hbm>> -> memref<256x128xf32, #tpu.memory_space<hbm>>
      %dma_wait3A_328 = arith.constant 0 : i32
      %dma_wait3A_329 = tpu.memref_slice %arg4[%add3A_299, %dma_wait3A_328] : memref<204800x128xf32, #tpu.memory_space<hbm>> -> memref<256x128xf32, #tpu.memory_space<hbm>>
      tpu.wait_dma2 semaphore(%arg12 : memref<!tpu.dma_semaphore, #tpu.memory_space<semaphore_mem>>) src(%arg8 : memref<256x128xf32, #tpu.memory_space<vmem>>) dst(%dma_wait3A_329 : memref<256x128xf32, #tpu.memory_space<hbm>>)
      %dma_start3A_330 = arith.constant 0 : i32
      %dma_start3A_331 = arith.constant 0 : i32
      %dma_start3A_332 = tpu.memref_slice %arg8[%dma_start3A_330, %dma_start3A_331] : memref<256x128xf32, #tpu.memory_space<vmem>> -> memref<128x128xf32, #tpu.memory_space<vmem>>
      %dma_start3A_333 = arith.constant 0 : i32
      %dma_start3A_334 = tpu.memref_slice %arg6[%dma_start3A_333] : memref<256xi32, #tpu.memory_space<vmem>> -> memref<128xi32, #tpu.memory_space<vmem>>
      %dma_start3A_335 = arith.constant 0 : i32
      %dma_start3A_336 = arith.constant 0 : i32
      %dma_start3A_337 = tpu.memref_slice %arg2[%dma_start3A_335, %dma_start3A_336] : memref<10240x128xf32, #tpu.memory_space<hbm>> -> memref<10240x128xf32, #tpu.memory_space<hbm>>
      tpu.enqueue_indirect_dma source(%dma_start3A_337 : memref<10240x128xf32, #tpu.memory_space<hbm>>) target(%dma_start3A_332 : memref<128x128xf32, #tpu.memory_space<vmem>>) offsets(%dma_start3A_334 : memref<128xi32, #tpu.memory_space<vmem>>) semaphore(%arg10 : memref<!tpu.dma_semaphore, #tpu.memory_space<semaphore_mem>>)
      %dma_start3A_338 = arith.constant 128 : i32
      %dma_start3A_339 = arith.constant 0 : i32
      %dma_start3A_340 = tpu.memref_slice %arg8[%dma_start3A_338, %dma_start3A_339] : memref<256x128xf32, #tpu.memory_space<vmem>> -> memref<128x128xf32, #tpu.memory_space<vmem>>
      %dma_start3A_341 = arith.constant 128 : i32
      %dma_start3A_342 = tpu.memref_slice %arg6[%dma_start3A_341] : memref<256xi32, #tpu.memory_space<vmem>> -> memref<128xi32, #tpu.memory_space<vmem>>
      %dma_start3A_343 = arith.constant 0 : i32
      %dma_start3A_344 = arith.constant 0 : i32
      %dma_start3A_345 = tpu.memref_slice %arg2[%dma_start3A_343, %dma_start3A_344] : memref<10240x128xf32, #tpu.memory_space<hbm>> -> memref<10240x128xf32, #tpu.memory_space<hbm>>
      tpu.enqueue_indirect_dma source(%dma_start3A_345 : memref<10240x128xf32, #tpu.memory_space<hbm>>) target(%dma_start3A_340 : memref<128x128xf32, #tpu.memory_space<vmem>>) offsets(%dma_start3A_342 : memref<128xi32, #tpu.memory_space<vmem>>) semaphore(%arg10 : memref<!tpu.dma_semaphore, #tpu.memory_space<semaphore_mem>>)
    }
    %scan3A_49 = arith.constant 10 : i32
    %add3A_50 = arith.constant 5120 : i32
    %add3A_51 = arith.addi %mul3A_2, %add3A_50 : i32
    %add3A_52 = arith.constant 512 : i32
    %add3A_53 = arith.addi %add3A_51, %add3A_52 : i32
    %dma_wait3A_54 = arith.constant 0 : i32
    %dma_wait3A_55 = arith.constant 0 : i32
    %dma_wait3A_56 = tpu.memref_slice %arg7[%dma_wait3A_54, %dma_wait3A_55] : memref<256x128xf32, #tpu.memory_space<vmem>> -> memref<128x128xf32, #tpu.memory_space<vmem>>
    %dma_wait3A_57 = arith.constant 0 : i32
    %dma_wait3A_58 = tpu.memref_slice %arg5[%dma_wait3A_57] : memref<256xi32, #tpu.memory_space<vmem>> -> memref<128xi32, #tpu.memory_space<vmem>>
    %dma_wait3A_59 = arith.constant 0 : i32
    %dma_wait3A_60 = arith.constant 0 : i32
    %dma_wait3A_61 = tpu.memref_slice %arg2[%dma_wait3A_59, %dma_wait3A_60] : memref<10240x128xf32, #tpu.memory_space<hbm>> -> memref<10240x128xf32, #tpu.memory_space<hbm>>
    tpu.wait_indirect_dma semaphore(%arg9 : memref<!tpu.dma_semaphore, #tpu.memory_space<semaphore_mem>>) src(%dma_wait3A_61 : memref<10240x128xf32, #tpu.memory_space<hbm>>) dst(%dma_wait3A_56 : memref<128x128xf32, #tpu.memory_space<vmem>>)
    %dma_wait3A_62 = arith.constant 128 : i32
    %dma_wait3A_63 = arith.constant 0 : i32
    %dma_wait3A_64 = tpu.memref_slice %arg7[%dma_wait3A_62, %dma_wait3A_63] : memref<256x128xf32, #tpu.memory_space<vmem>> -> memref<128x128xf32, #tpu.memory_space<vmem>>
    %dma_wait3A_65 = arith.constant 128 : i32
    %dma_wait3A_66 = tpu.memref_slice %arg5[%dma_wait3A_65] : memref<256xi32, #tpu.memory_space<vmem>> -> memref<128xi32, #tpu.memory_space<vmem>>
    %dma_wait3A_67 = arith.constant 0 : i32
    %dma_wait3A_68 = arith.constant 0 : i32
    %dma_wait3A_69 = tpu.memref_slice %arg2[%dma_wait3A_67, %dma_wait3A_68] : memref<10240x128xf32, #tpu.memory_space<hbm>> -> memref<10240x128xf32, #tpu.memory_space<hbm>>
    tpu.wait_indirect_dma semaphore(%arg9 : memref<!tpu.dma_semaphore, #tpu.memory_space<semaphore_mem>>) src(%dma_wait3A_69 : memref<10240x128xf32, #tpu.memory_space<hbm>>) dst(%dma_wait3A_64 : memref<128x128xf32, #tpu.memory_space<vmem>>)
    %dma_start3A_70 = arith.constant 0 : i32
    %dma_start3A_71 = tpu.memref_slice %arg4[%add3A_51, %dma_start3A_70] : memref<204800x128xf32, #tpu.memory_space<hbm>> -> memref<256x128xf32, #tpu.memory_space<hbm>>
    %dma_start3A_72 = arith.constant 0 : i32
    %dma_start3A_73 = tpu.memref_slice %arg4[%add3A_51, %dma_start3A_72] : memref<204800x128xf32, #tpu.memory_space<hbm>> -> memref<256x128xf32, #tpu.memory_space<hbm>>
    tpu.enqueue_dma source(%arg7 : memref<256x128xf32, #tpu.memory_space<vmem>>) target(%dma_start3A_73 : memref<256x128xf32, #tpu.memory_space<hbm>>) target_semaphore(%arg11 : memref<!tpu.dma_semaphore, #tpu.memory_space<semaphore_mem>>)
    %dma_start3A_74 = tpu.memref_slice %arg3[%add3A_53] : memref<204800xi32, #tpu.memory_space<hbm>> -> memref<256xi32, #tpu.memory_space<hbm>>
    %dma_start3A_75 = tpu.memref_slice %arg3[%add3A_53] : memref<204800xi32, #tpu.memory_space<hbm>> -> memref<256xi32, #tpu.memory_space<hbm>>
    tpu.enqueue_dma source(%dma_start3A_75 : memref<256xi32, #tpu.memory_space<hbm>>) target(%arg5 : memref<256xi32, #tpu.memory_space<vmem>>) target_semaphore(%arg13 : memref<!tpu.dma_semaphore, #tpu.memory_space<semaphore_mem>>)
    %dma_wait3A_76 = tpu.memref_slice %arg3[%add3A_53] : memref<204800xi32, #tpu.memory_space<hbm>> -> memref<256xi32, #tpu.memory_space<hbm>>
    %dma_wait3A_77 = tpu.memref_slice %arg3[%add3A_53] : memref<204800xi32, #tpu.memory_space<hbm>> -> memref<256xi32, #tpu.memory_space<hbm>>
    tpu.wait_dma2 semaphore(%arg13 : memref<!tpu.dma_semaphore, #tpu.memory_space<semaphore_mem>>) src(%dma_wait3A_77 : memref<256xi32, #tpu.memory_space<hbm>>) dst(%arg5 : memref<256xi32, #tpu.memory_space<vmem>>)
    %dma_wait3A_78 = arith.constant 0 : i32
    %dma_wait3A_79 = tpu.memref_slice %arg4[%add3A_51, %dma_wait3A_78] : memref<204800x128xf32, #tpu.memory_space<hbm>> -> memref<256x128xf32, #tpu.memory_space<hbm>>
    %dma_wait3A_80 = arith.constant 0 : i32
    %dma_wait3A_81 = tpu.memref_slice %arg4[%add3A_51, %dma_wait3A_80] : memref<204800x128xf32, #tpu.memory_space<hbm>> -> memref<256x128xf32, #tpu.memory_space<hbm>>
    tpu.wait_dma2 semaphore(%arg11 : memref<!tpu.dma_semaphore, #tpu.memory_space<semaphore_mem>>) src(%arg7 : memref<256x128xf32, #tpu.memory_space<vmem>>) dst(%dma_wait3A_81 : memref<256x128xf32, #tpu.memory_space<hbm>>)
    %dma_start3A_82 = arith.constant 0 : i32
    %dma_start3A_83 = arith.constant 0 : i32
    %dma_start3A_84 = tpu.memref_slice %arg7[%dma_start3A_82, %dma_start3A_83] : memref<256x128xf32, #tpu.memory_space<vmem>> -> memref<128x128xf32, #tpu.memory_space<vmem>>
    %dma_start3A_85 = arith.constant 0 : i32
    %dma_start3A_86 = tpu.memref_slice %arg5[%dma_start3A_85] : memref<256xi32, #tpu.memory_space<vmem>> -> memref<128xi32, #tpu.memory_space<vmem>>
    %dma_start3A_87 = arith.constant 0 : i32
    %dma_start3A_88 = arith.constant 0 : i32
    %dma_start3A_89 = tpu.memref_slice %arg2[%dma_start3A_87, %dma_start3A_88] : memref<10240x128xf32, #tpu.memory_space<hbm>> -> memref<10240x128xf32, #tpu.memory_space<hbm>>
    tpu.enqueue_indirect_dma source(%dma_start3A_89 : memref<10240x128xf32, #tpu.memory_space<hbm>>) target(%dma_start3A_84 : memref<128x128xf32, #tpu.memory_space<vmem>>) offsets(%dma_start3A_86 : memref<128xi32, #tpu.memory_space<vmem>>) semaphore(%arg9 : memref<!tpu.dma_semaphore, #tpu.memory_space<semaphore_mem>>)
    %dma_start3A_90 = arith.constant 128 : i32
    %dma_start3A_91 = arith.constant 0 : i32
    %dma_start3A_92 = tpu.memref_slice %arg7[%dma_start3A_90, %dma_start3A_91] : memref<256x128xf32, #tpu.memory_space<vmem>> -> memref<128x128xf32, #tpu.memory_space<vmem>>
    %dma_start3A_93 = arith.constant 128 : i32
    %dma_start3A_94 = tpu.memref_slice %arg5[%dma_start3A_93] : memref<256xi32, #tpu.memory_space<vmem>> -> memref<128xi32, #tpu.memory_space<vmem>>
    %dma_start3A_95 = arith.constant 0 : i32
    %dma_start3A_96 = arith.constant 0 : i32
    %dma_start3A_97 = tpu.memref_slice %arg2[%dma_start3A_95, %dma_start3A_96] : memref<10240x128xf32, #tpu.memory_space<hbm>> -> memref<10240x128xf32, #tpu.memory_space<hbm>>
    tpu.enqueue_indirect_dma source(%dma_start3A_97 : memref<10240x128xf32, #tpu.memory_space<hbm>>) target(%dma_start3A_92 : memref<128x128xf32, #tpu.memory_space<vmem>>) offsets(%dma_start3A_94 : memref<128xi32, #tpu.memory_space<vmem>>) semaphore(%arg9 : memref<!tpu.dma_semaphore, #tpu.memory_space<semaphore_mem>>)
    %add3A_98 = arith.constant 256 : i32
    %add3A_99 = arith.addi %add3A_51, %add3A_98 : i32
    %add3A_100 = arith.constant 768 : i32
    %add3A_101 = arith.addi %add3A_51, %add3A_100 : i32
    %dma_wait3A_102 = arith.constant 0 : i32
    %dma_wait3A_103 = arith.constant 0 : i32
    %dma_wait3A_104 = tpu.memref_slice %arg8[%dma_wait3A_102, %dma_wait3A_103] : memref<256x128xf32, #tpu.memory_space<vmem>> -> memref<128x128xf32, #tpu.memory_space<vmem>>
    %dma_wait3A_105 = arith.constant 0 : i32
    %dma_wait3A_106 = tpu.memref_slice %arg6[%dma_wait3A_105] : memref<256xi32, #tpu.memory_space<vmem>> -> memref<128xi32, #tpu.memory_space<vmem>>
    %dma_wait3A_107 = arith.constant 0 : i32
    %dma_wait3A_108 = arith.constant 0 : i32
    %dma_wait3A_109 = tpu.memref_slice %arg2[%dma_wait3A_107, %dma_wait3A_108] : memref<10240x128xf32, #tpu.memory_space<hbm>> -> memref<10240x128xf32, #tpu.memory_space<hbm>>
    tpu.wait_indirect_dma semaphore(%arg10 : memref<!tpu.dma_semaphore, #tpu.memory_space<semaphore_mem>>) src(%dma_wait3A_109 : memref<10240x128xf32, #tpu.memory_space<hbm>>) dst(%dma_wait3A_104 : memref<128x128xf32, #tpu.memory_space<vmem>>)
    %dma_wait3A_110 = arith.constant 128 : i32
    %dma_wait3A_111 = arith.constant 0 : i32
    %dma_wait3A_112 = tpu.memref_slice %arg8[%dma_wait3A_110, %dma_wait3A_111] : memref<256x128xf32, #tpu.memory_space<vmem>> -> memref<128x128xf32, #tpu.memory_space<vmem>>
    %dma_wait3A_113 = arith.constant 128 : i32
    %dma_wait3A_114 = tpu.memref_slice %arg6[%dma_wait3A_113] : memref<256xi32, #tpu.memory_space<vmem>> -> memref<128xi32, #tpu.memory_space<vmem>>
    %dma_wait3A_115 = arith.constant 0 : i32
    %dma_wait3A_116 = arith.constant 0 : i32
    %dma_wait3A_117 = tpu.memref_slice %arg2[%dma_wait3A_115, %dma_wait3A_116] : memref<10240x128xf32, #tpu.memory_space<hbm>> -> memref<10240x128xf32, #tpu.memory_space<hbm>>
    tpu.wait_indirect_dma semaphore(%arg10 : memref<!tpu.dma_semaphore, #tpu.memory_space<semaphore_mem>>) src(%dma_wait3A_117 : memref<10240x128xf32, #tpu.memory_space<hbm>>) dst(%dma_wait3A_112 : memref<128x128xf32, #tpu.memory_space<vmem>>)
    %dma_start3A_118 = arith.constant 0 : i32
    %dma_start3A_119 = tpu.memref_slice %arg4[%add3A_99, %dma_start3A_118] : memref<204800x128xf32, #tpu.memory_space<hbm>> -> memref<256x128xf32, #tpu.memory_space<hbm>>
    %dma_start3A_120 = arith.constant 0 : i32
    %dma_start3A_121 = tpu.memref_slice %arg4[%add3A_99, %dma_start3A_120] : memref<204800x128xf32, #tpu.memory_space<hbm>> -> memref<256x128xf32, #tpu.memory_space<hbm>>
    tpu.enqueue_dma source(%arg8 : memref<256x128xf32, #tpu.memory_space<vmem>>) target(%dma_start3A_121 : memref<256x128xf32, #tpu.memory_space<hbm>>) target_semaphore(%arg12 : memref<!tpu.dma_semaphore, #tpu.memory_space<semaphore_mem>>)
    %dma_start3A_122 = tpu.memref_slice %arg3[%add3A_101] : memref<204800xi32, #tpu.memory_space<hbm>> -> memref<256xi32, #tpu.memory_space<hbm>>
    %dma_start3A_123 = tpu.memref_slice %arg3[%add3A_101] : memref<204800xi32, #tpu.memory_space<hbm>> -> memref<256xi32, #tpu.memory_space<hbm>>
    tpu.enqueue_dma source(%dma_start3A_123 : memref<256xi32, #tpu.memory_space<hbm>>) target(%arg6 : memref<256xi32, #tpu.memory_space<vmem>>) target_semaphore(%arg14 : memref<!tpu.dma_semaphore, #tpu.memory_space<semaphore_mem>>)
    %dma_wait3A_124 = tpu.memref_slice %arg3[%add3A_101] : memref<204800xi32, #tpu.memory_space<hbm>> -> memref<256xi32, #tpu.memory_space<hbm>>
    %dma_wait3A_125 = tpu.memref_slice %arg3[%add3A_101] : memref<204800xi32, #tpu.memory_space<hbm>> -> memref<256xi32, #tpu.memory_space<hbm>>
    tpu.wait_dma2 semaphore(%arg14 : memref<!tpu.dma_semaphore, #tpu.memory_space<semaphore_mem>>) src(%dma_wait3A_125 : memref<256xi32, #tpu.memory_space<hbm>>) dst(%arg6 : memref<256xi32, #tpu.memory_space<vmem>>)
    %dma_wait3A_126 = arith.constant 0 : i32
    %dma_wait3A_127 = tpu.memref_slice %arg4[%add3A_99, %dma_wait3A_126] : memref<204800x128xf32, #tpu.memory_space<hbm>> -> memref<256x128xf32, #tpu.memory_space<hbm>>
    %dma_wait3A_128 = arith.constant 0 : i32
    %dma_wait3A_129 = tpu.memref_slice %arg4[%add3A_99, %dma_wait3A_128] : memref<204800x128xf32, #tpu.memory_space<hbm>> -> memref<256x128xf32, #tpu.memory_space<hbm>>
    tpu.wait_dma2 semaphore(%arg12 : memref<!tpu.dma_semaphore, #tpu.memory_space<semaphore_mem>>) src(%arg8 : memref<256x128xf32, #tpu.memory_space<vmem>>) dst(%dma_wait3A_129 : memref<256x128xf32, #tpu.memory_space<hbm>>)
    %dma_start3A_130 = arith.constant 0 : i32
    %dma_start3A_131 = arith.constant 0 : i32
    %dma_start3A_132 = tpu.memref_slice %arg8[%dma_start3A_130, %dma_start3A_131] : memref<256x128xf32, #tpu.memory_space<vmem>> -> memref<128x128xf32, #tpu.memory_space<vmem>>
    %dma_start3A_133 = arith.constant 0 : i32
    %dma_start3A_134 = tpu.memref_slice %arg6[%dma_start3A_133] : memref<256xi32, #tpu.memory_space<vmem>> -> memref<128xi32, #tpu.memory_space<vmem>>
    %dma_start3A_135 = arith.constant 0 : i32
    %dma_start3A_136 = arith.constant 0 : i32
    %dma_start3A_137 = tpu.memref_slice %arg2[%dma_start3A_135, %dma_start3A_136] : memref<10240x128xf32, #tpu.memory_space<hbm>> -> memref<10240x128xf32, #tpu.memory_space<hbm>>
    tpu.enqueue_indirect_dma source(%dma_start3A_137 : memref<10240x128xf32, #tpu.memory_space<hbm>>) target(%dma_start3A_132 : memref<128x128xf32, #tpu.memory_space<vmem>>) offsets(%dma_start3A_134 : memref<128xi32, #tpu.memory_space<vmem>>) semaphore(%arg10 : memref<!tpu.dma_semaphore, #tpu.memory_space<semaphore_mem>>)
    %dma_start3A_138 = arith.constant 128 : i32
    %dma_start3A_139 = arith.constant 0 : i32
    %dma_start3A_140 = tpu.memref_slice %arg8[%dma_start3A_138, %dma_start3A_139] : memref<256x128xf32, #tpu.memory_space<vmem>> -> memref<128x128xf32, #tpu.memory_space<vmem>>
    %dma_start3A_141 = arith.constant 128 : i32
    %dma_start3A_142 = tpu.memref_slice %arg6[%dma_start3A_141] : memref<256xi32, #tpu.memory_space<vmem>> -> memref<128xi32, #tpu.memory_space<vmem>>
    %dma_start3A_143 = arith.constant 0 : i32
    %dma_start3A_144 = arith.constant 0 : i32
    %dma_start3A_145 = tpu.memref_slice %arg2[%dma_start3A_143, %dma_start3A_144] : memref<10240x128xf32, #tpu.memory_space<hbm>> -> memref<10240x128xf32, #tpu.memory_space<hbm>>
    tpu.enqueue_indirect_dma source(%dma_start3A_145 : memref<10240x128xf32, #tpu.memory_space<hbm>>) target(%dma_start3A_140 : memref<128x128xf32, #tpu.memory_space<vmem>>) offsets(%dma_start3A_142 : memref<128xi32, #tpu.memory_space<vmem>>) semaphore(%arg10 : memref<!tpu.dma_semaphore, #tpu.memory_space<semaphore_mem>>)
    %add3A_146 = arith.constant 512 : i32
    %add3A_147 = arith.addi %add3A_51, %add3A_146 : i32
    %add3A_148 = arith.constant 1024 : i32
    %add3A_149 = arith.addi %add3A_51, %add3A_148 : i32
    %dma_wait3A_150 = arith.constant 0 : i32
    %dma_wait3A_151 = arith.constant 0 : i32
    %dma_wait3A_152 = tpu.memref_slice %arg7[%dma_wait3A_150, %dma_wait3A_151] : memref<256x128xf32, #tpu.memory_space<vmem>> -> memref<128x128xf32, #tpu.memory_space<vmem>>
    %dma_wait3A_153 = arith.constant 0 : i32
    %dma_wait3A_154 = tpu.memref_slice %arg5[%dma_wait3A_153] : memref<256xi32, #tpu.memory_space<vmem>> -> memref<128xi32, #tpu.memory_space<vmem>>
    %dma_wait3A_155 = arith.constant 0 : i32
    %dma_wait3A_156 = arith.constant 0 : i32
    %dma_wait3A_157 = tpu.memref_slice %arg2[%dma_wait3A_155, %dma_wait3A_156] : memref<10240x128xf32, #tpu.memory_space<hbm>> -> memref<10240x128xf32, #tpu.memory_space<hbm>>
    tpu.wait_indirect_dma semaphore(%arg9 : memref<!tpu.dma_semaphore, #tpu.memory_space<semaphore_mem>>) src(%dma_wait3A_157 : memref<10240x128xf32, #tpu.memory_space<hbm>>) dst(%dma_wait3A_152 : memref<128x128xf32, #tpu.memory_space<vmem>>)
    %dma_wait3A_158 = arith.constant 128 : i32
    %dma_wait3A_159 = arith.constant 0 : i32
    %dma_wait3A_160 = tpu.memref_slice %arg7[%dma_wait3A_158, %dma_wait3A_159] : memref<256x128xf32, #tpu.memory_space<vmem>> -> memref<128x128xf32, #tpu.memory_space<vmem>>
    %dma_wait3A_161 = arith.constant 128 : i32
    %dma_wait3A_162 = tpu.memref_slice %arg5[%dma_wait3A_161] : memref<256xi32, #tpu.memory_space<vmem>> -> memref<128xi32, #tpu.memory_space<vmem>>
    %dma_wait3A_163 = arith.constant 0 : i32
    %dma_wait3A_164 = arith.constant 0 : i32
    %dma_wait3A_165 = tpu.memref_slice %arg2[%dma_wait3A_163, %dma_wait3A_164] : memref<10240x128xf32, #tpu.memory_space<hbm>> -> memref<10240x128xf32, #tpu.memory_space<hbm>>
    tpu.wait_indirect_dma semaphore(%arg9 : memref<!tpu.dma_semaphore, #tpu.memory_space<semaphore_mem>>) src(%dma_wait3A_165 : memref<10240x128xf32, #tpu.memory_space<hbm>>) dst(%dma_wait3A_160 : memref<128x128xf32, #tpu.memory_space<vmem>>)
    %dma_start3A_166 = arith.constant 0 : i32
    %dma_start3A_167 = tpu.memref_slice %arg4[%add3A_147, %dma_start3A_166] : memref<204800x128xf32, #tpu.memory_space<hbm>> -> memref<256x128xf32, #tpu.memory_space<hbm>>
    %dma_start3A_168 = arith.constant 0 : i32
    %dma_start3A_169 = tpu.memref_slice %arg4[%add3A_147, %dma_start3A_168] : memref<204800x128xf32, #tpu.memory_space<hbm>> -> memref<256x128xf32, #tpu.memory_space<hbm>>
    tpu.enqueue_dma source(%arg7 : memref<256x128xf32, #tpu.memory_space<vmem>>) target(%dma_start3A_169 : memref<256x128xf32, #tpu.memory_space<hbm>>) target_semaphore(%arg11 : memref<!tpu.dma_semaphore, #tpu.memory_space<semaphore_mem>>)
    %dma_start3A_170 = tpu.memref_slice %arg3[%add3A_149] : memref<204800xi32, #tpu.memory_space<hbm>> -> memref<256xi32, #tpu.memory_space<hbm>>
    %dma_start3A_171 = tpu.memref_slice %arg3[%add3A_149] : memref<204800xi32, #tpu.memory_space<hbm>> -> memref<256xi32, #tpu.memory_space<hbm>>
    tpu.enqueue_dma source(%dma_start3A_171 : memref<256xi32, #tpu.memory_space<hbm>>) target(%arg5 : memref<256xi32, #tpu.memory_space<vmem>>) target_semaphore(%arg13 : memref<!tpu.dma_semaphore, #tpu.memory_space<semaphore_mem>>)
    %dma_wait3A_172 = tpu.memref_slice %arg3[%add3A_149] : memref<204800xi32, #tpu.memory_space<hbm>> -> memref<256xi32, #tpu.memory_space<hbm>>
    %dma_wait3A_173 = tpu.memref_slice %arg3[%add3A_149] : memref<204800xi32, #tpu.memory_space<hbm>> -> memref<256xi32, #tpu.memory_space<hbm>>
    tpu.wait_dma2 semaphore(%arg13 : memref<!tpu.dma_semaphore, #tpu.memory_space<semaphore_mem>>) src(%dma_wait3A_173 : memref<256xi32, #tpu.memory_space<hbm>>) dst(%arg5 : memref<256xi32, #tpu.memory_space<vmem>>)
    %dma_wait3A_174 = arith.constant 0 : i32
    %dma_wait3A_175 = tpu.memref_slice %arg4[%add3A_147, %dma_wait3A_174] : memref<204800x128xf32, #tpu.memory_space<hbm>> -> memref<256x128xf32, #tpu.memory_space<hbm>>
    %dma_wait3A_176 = arith.constant 0 : i32
    %dma_wait3A_177 = tpu.memref_slice %arg4[%add3A_147, %dma_wait3A_176] : memref<204800x128xf32, #tpu.memory_space<hbm>> -> memref<256x128xf32, #tpu.memory_space<hbm>>
    tpu.wait_dma2 semaphore(%arg11 : memref<!tpu.dma_semaphore, #tpu.memory_space<semaphore_mem>>) src(%arg7 : memref<256x128xf32, #tpu.memory_space<vmem>>) dst(%dma_wait3A_177 : memref<256x128xf32, #tpu.memory_space<hbm>>)
    %dma_start3A_178 = arith.constant 0 : i32
    %dma_start3A_179 = arith.constant 0 : i32
    %dma_start3A_180 = tpu.memref_slice %arg7[%dma_start3A_178, %dma_start3A_179] : memref<256x128xf32, #tpu.memory_space<vmem>> -> memref<128x128xf32, #tpu.memory_space<vmem>>
    %dma_start3A_181 = arith.constant 0 : i32
    %dma_start3A_182 = tpu.memref_slice %arg5[%dma_start3A_181] : memref<256xi32, #tpu.memory_space<vmem>> -> memref<128xi32, #tpu.memory_space<vmem>>
    %dma_start3A_183 = arith.constant 0 : i32
    %dma_start3A_184 = arith.constant 0 : i32
    %dma_start3A_185 = tpu.memref_slice %arg2[%dma_start3A_183, %dma_start3A_184] : memref<10240x128xf32, #tpu.memory_space<hbm>> -> memref<10240x128xf32, #tpu.memory_space<hbm>>
    tpu.enqueue_indirect_dma source(%dma_start3A_185 : memref<10240x128xf32, #tpu.memory_space<hbm>>) target(%dma_start3A_180 : memref<128x128xf32, #tpu.memory_space<vmem>>) offsets(%dma_start3A_182 : memref<128xi32, #tpu.memory_space<vmem>>) semaphore(%arg9 : memref<!tpu.dma_semaphore, #tpu.memory_space<semaphore_mem>>)
    %dma_start3A_186 = arith.constant 128 : i32
    %dma_start3A_187 = arith.constant 0 : i32
    %dma_start3A_188 = tpu.memref_slice %arg7[%dma_start3A_186, %dma_start3A_187] : memref<256x128xf32, #tpu.memory_space<vmem>> -> memref<128x128xf32, #tpu.memory_space<vmem>>
    %dma_start3A_189 = arith.constant 128 : i32
    %dma_start3A_190 = tpu.memref_slice %arg5[%dma_start3A_189] : memref<256xi32, #tpu.memory_space<vmem>> -> memref<128xi32, #tpu.memory_space<vmem>>
    %dma_start3A_191 = arith.constant 0 : i32
    %dma_start3A_192 = arith.constant 0 : i32
    %dma_start3A_193 = tpu.memref_slice %arg2[%dma_start3A_191, %dma_start3A_192] : memref<10240x128xf32, #tpu.memory_space<hbm>> -> memref<10240x128xf32, #tpu.memory_space<hbm>>
    tpu.enqueue_indirect_dma source(%dma_start3A_193 : memref<10240x128xf32, #tpu.memory_space<hbm>>) target(%dma_start3A_188 : memref<128x128xf32, #tpu.memory_space<vmem>>) offsets(%dma_start3A_190 : memref<128xi32, #tpu.memory_space<vmem>>) semaphore(%arg9 : memref<!tpu.dma_semaphore, #tpu.memory_space<semaphore_mem>>)
    %add3A_194 = arith.constant 768 : i32
    %add3A_195 = arith.addi %add3A_51, %add3A_194 : i32
    %dma_wait3A_196 = arith.constant 0 : i32
    %dma_wait3A_197 = arith.constant 0 : i32
    %dma_wait3A_198 = tpu.memref_slice %arg8[%dma_wait3A_196, %dma_wait3A_197] : memref<256x128xf32, #tpu.memory_space<vmem>> -> memref<128x128xf32, #tpu.memory_space<vmem>>
    %dma_wait3A_199 = arith.constant 0 : i32
    %dma_wait3A_200 = tpu.memref_slice %arg6[%dma_wait3A_199] : memref<256xi32, #tpu.memory_space<vmem>> -> memref<128xi32, #tpu.memory_space<vmem>>
    %dma_wait3A_201 = arith.constant 0 : i32
    %dma_wait3A_202 = arith.constant 0 : i32
    %dma_wait3A_203 = tpu.memref_slice %arg2[%dma_wait3A_201, %dma_wait3A_202] : memref<10240x128xf32, #tpu.memory_space<hbm>> -> memref<10240x128xf32, #tpu.memory_space<hbm>>
    tpu.wait_indirect_dma semaphore(%arg10 : memref<!tpu.dma_semaphore, #tpu.memory_space<semaphore_mem>>) src(%dma_wait3A_203 : memref<10240x128xf32, #tpu.memory_space<hbm>>) dst(%dma_wait3A_198 : memref<128x128xf32, #tpu.memory_space<vmem>>)
    %dma_wait3A_204 = arith.constant 128 : i32
    %dma_wait3A_205 = arith.constant 0 : i32
    %dma_wait3A_206 = tpu.memref_slice %arg8[%dma_wait3A_204, %dma_wait3A_205] : memref<256x128xf32, #tpu.memory_space<vmem>> -> memref<128x128xf32, #tpu.memory_space<vmem>>
    %dma_wait3A_207 = arith.constant 128 : i32
    %dma_wait3A_208 = tpu.memref_slice %arg6[%dma_wait3A_207] : memref<256xi32, #tpu.memory_space<vmem>> -> memref<128xi32, #tpu.memory_space<vmem>>
    %dma_wait3A_209 = arith.constant 0 : i32
    %dma_wait3A_210 = arith.constant 0 : i32
    %dma_wait3A_211 = tpu.memref_slice %arg2[%dma_wait3A_209, %dma_wait3A_210] : memref<10240x128xf32, #tpu.memory_space<hbm>> -> memref<10240x128xf32, #tpu.memory_space<hbm>>
    tpu.wait_indirect_dma semaphore(%arg10 : memref<!tpu.dma_semaphore, #tpu.memory_space<semaphore_mem>>) src(%dma_wait3A_211 : memref<10240x128xf32, #tpu.memory_space<hbm>>) dst(%dma_wait3A_206 : memref<128x128xf32, #tpu.memory_space<vmem>>)
    %dma_start3A_212 = arith.constant 0 : i32
    %dma_start3A_213 = tpu.memref_slice %arg4[%add3A_195, %dma_start3A_212] : memref<204800x128xf32, #tpu.memory_space<hbm>> -> memref<256x128xf32, #tpu.memory_space<hbm>>
    %dma_start3A_214 = arith.constant 0 : i32
    %dma_start3A_215 = tpu.memref_slice %arg4[%add3A_195, %dma_start3A_214] : memref<204800x128xf32, #tpu.memory_space<hbm>> -> memref<256x128xf32, #tpu.memory_space<hbm>>
    tpu.enqueue_dma source(%arg8 : memref<256x128xf32, #tpu.memory_space<vmem>>) target(%dma_start3A_215 : memref<256x128xf32, #tpu.memory_space<hbm>>) target_semaphore(%arg12 : memref<!tpu.dma_semaphore, #tpu.memory_space<semaphore_mem>>)
    %dma_wait3A_216 = arith.constant 0 : i32
    %dma_wait3A_217 = tpu.memref_slice %arg4[%add3A_195, %dma_wait3A_216] : memref<204800x128xf32, #tpu.memory_space<hbm>> -> memref<256x128xf32, #tpu.memory_space<hbm>>
    %dma_wait3A_218 = arith.constant 0 : i32
    %dma_wait3A_219 = tpu.memref_slice %arg4[%add3A_195, %dma_wait3A_218] : memref<204800x128xf32, #tpu.memory_space<hbm>> -> memref<256x128xf32, #tpu.memory_space<hbm>>
    tpu.wait_dma2 semaphore(%arg12 : memref<!tpu.dma_semaphore, #tpu.memory_space<semaphore_mem>>) src(%arg8 : memref<256x128xf32, #tpu.memory_space<vmem>>) dst(%dma_wait3A_219 : memref<256x128xf32, #tpu.memory_space<hbm>>)
    %add3A_220 = arith.constant 1024 : i32
    %add3A_221 = arith.addi %add3A_51, %add3A_220 : i32
    %dma_wait3A_222 = arith.constant 0 : i32
    %dma_wait3A_223 = arith.constant 0 : i32
    %dma_wait3A_224 = tpu.memref_slice %arg7[%dma_wait3A_222, %dma_wait3A_223] : memref<256x128xf32, #tpu.memory_space<vmem>> -> memref<128x128xf32, #tpu.memory_space<vmem>>
    %dma_wait3A_225 = arith.constant 0 : i32
    %dma_wait3A_226 = tpu.memref_slice %arg5[%dma_wait3A_225] : memref<256xi32, #tpu.memory_space<vmem>> -> memref<128xi32, #tpu.memory_space<vmem>>
    %dma_wait3A_227 = arith.constant 0 : i32
    %dma_wait3A_228 = arith.constant 0 : i32
    %dma_wait3A_229 = tpu.memref_slice %arg2[%dma_wait3A_227, %dma_wait3A_228] : memref<10240x128xf32, #tpu.memory_space<hbm>> -> memref<10240x128xf32, #tpu.memory_space<hbm>>
    tpu.wait_indirect_dma semaphore(%arg9 : memref<!tpu.dma_semaphore, #tpu.memory_space<semaphore_mem>>) src(%dma_wait3A_229 : memref<10240x128xf32, #tpu.memory_space<hbm>>) dst(%dma_wait3A_224 : memref<128x128xf32, #tpu.memory_space<vmem>>)
    %dma_wait3A_230 = arith.constant 128 : i32
    %dma_wait3A_231 = arith.constant 0 : i32
    %dma_wait3A_232 = tpu.memref_slice %arg7[%dma_wait3A_230, %dma_wait3A_231] : memref<256x128xf32, #tpu.memory_space<vmem>> -> memref<128x128xf32, #tpu.memory_space<vmem>>
    %dma_wait3A_233 = arith.constant 128 : i32
    %dma_wait3A_234 = tpu.memref_slice %arg5[%dma_wait3A_233] : memref<256xi32, #tpu.memory_space<vmem>> -> memref<128xi32, #tpu.memory_space<vmem>>
    %dma_wait3A_235 = arith.constant 0 : i32
    %dma_wait3A_236 = arith.constant 0 : i32
    %dma_wait3A_237 = tpu.memref_slice %arg2[%dma_wait3A_235, %dma_wait3A_236] : memref<10240x128xf32, #tpu.memory_space<hbm>> -> memref<10240x128xf32, #tpu.memory_space<hbm>>
    tpu.wait_indirect_dma semaphore(%arg9 : memref<!tpu.dma_semaphore, #tpu.memory_space<semaphore_mem>>) src(%dma_wait3A_237 : memref<10240x128xf32, #tpu.memory_space<hbm>>) dst(%dma_wait3A_232 : memref<128x128xf32, #tpu.memory_space<vmem>>)
    %dma_start3A_238 = arith.constant 0 : i32
    %dma_start3A_239 = tpu.memref_slice %arg4[%add3A_221, %dma_start3A_238] : memref<204800x128xf32, #tpu.memory_space<hbm>> -> memref<256x128xf32, #tpu.memory_space<hbm>>
    %dma_start3A_240 = arith.constant 0 : i32
    %dma_start3A_241 = tpu.memref_slice %arg4[%add3A_221, %dma_start3A_240] : memref<204800x128xf32, #tpu.memory_space<hbm>> -> memref<256x128xf32, #tpu.memory_space<hbm>>
    tpu.enqueue_dma source(%arg7 : memref<256x128xf32, #tpu.memory_space<vmem>>) target(%dma_start3A_241 : memref<256x128xf32, #tpu.memory_space<hbm>>) target_semaphore(%arg11 : memref<!tpu.dma_semaphore, #tpu.memory_space<semaphore_mem>>)
    %dma_wait3A_242 = arith.constant 0 : i32
    %dma_wait3A_243 = tpu.memref_slice %arg4[%add3A_221, %dma_wait3A_242] : memref<204800x128xf32, #tpu.memory_space<hbm>> -> memref<256x128xf32, #tpu.memory_space<hbm>>
    %dma_wait3A_244 = arith.constant 0 : i32
    %dma_wait3A_245 = tpu.memref_slice %arg4[%add3A_221, %dma_wait3A_244] : memref<204800x128xf32, #tpu.memory_space<hbm>> -> memref<256x128xf32, #tpu.memory_space<hbm>>
    tpu.wait_dma2 semaphore(%arg11 : memref<!tpu.dma_semaphore, #tpu.memory_space<semaphore_mem>>) src(%arg7 : memref<256x128xf32, #tpu.memory_space<vmem>>) dst(%dma_wait3A_245 : memref<256x128xf32, #tpu.memory_space<hbm>>)
    return
  }
}

module attributes {stable_mosaic.version = 14 : i64} {
  func.func @_combo_ids_body(%arg0: i32, %arg1: memref<800x128xi32, #tpu.memory_space<vmem>>, %arg2: memref<128x32xf32, #tpu.memory_space<vmem>>, %arg3: memref<800x32xi32, #tpu.memory_space<vmem>>) attributes {dimension_semantics = [#tpu.dimension_semantics<arbitrary>], iteration_bounds = array<i64: 8>, scalar_prefetch = 0 : i64, scratch_operands = 0 : i64, tpu.core_type = #tpu.core_type<tc>, window_params = [{transform_indices = @transform_0, window_bounds = array<i64: 800, 128>}, {pipeline_mode = #tpu.pipeline_mode<synchronous>, transform_indices = @transform_1, window_bounds = array<i64: 128, 32>}, {transform_indices = @transform_2, window_bounds = array<i64: 800, 32>}]} {
    %get3A = arith.constant 0 : index
    %get3A_0 = arith.constant 0 : index
    %get3A_1 = vector.load %arg1[%get3A, %get3A_0] : memref<800x128xi32, #tpu.memory_space<vmem>>, vector<800x128xi32>
    %convert_element_type3A = arith.sitofp %get3A_1 : vector<800x128xi32> to vector<800x128xf32>
    %get3A_2 = arith.constant 0 : index
    %get3A_3 = arith.constant 0 : index
    %get3A_4 = vector.load %arg2[%get3A_2, %get3A_3] : memref<128x32xf32, #tpu.memory_space<vmem>>, vector<128x32xf32>
    %dot_general3A = arith.constant dense<0.000000e+00> : vector<800x32xf32>
    %dot_general3A_5 = tpu.matmul %convert_element_type3A, %get3A_4, %dot_general3A {dimension_numbers = #tpu.dot_dimension_numbers<[1], [0], [0], [1], [0, 0, 1, 1], [], []>, precision = #tpu.contract_precision<fp32>, transpose_lhs_hint = false} : vector<800x128xf32>, vector<128x32xf32>, vector<800x32xf32> -> vector<800x32xf32>
    %convert_element_type3A_6 = arith.fptosi %dot_general3A_5 : vector<800x32xf32> to vector<800x32xi32>
    %swap3A = arith.constant 0 : index
    %swap3A_7 = arith.constant 0 : index
    %swap3A_8 = vector.load %arg3[%swap3A, %swap3A_7] : memref<800x32xi32, #tpu.memory_space<vmem>>, vector<800x32xi32>
    tpu.vector_store %arg3[%swap3A, %swap3A_7], %convert_element_type3A_6 {strides = array<i32>} : memref<800x32xi32, #tpu.memory_space<vmem>>, vector<800x32xi32>,
    return
  }
  func.func @transform_0(%arg0: i32) -> (i32, i32) {
    %c0_i32 = arith.constant 0 : i32
    %c0_i32_0 = arith.constant 0 : i32
    return %arg0, %c0_i32 : i32, i32
  }
  func.func @transform_1(%arg0: i32) -> (i32, i32) {
    %c0_i32 = arith.constant 0 : i32
    %c0_i32_0 = arith.constant 0 : i32
    %c0_i32_1 = arith.constant 0 : i32
    return %c0_i32, %c0_i32_0 : i32, i32
  }
  func.func @transform_2(%arg0: i32) -> (i32, i32) {
    %c0_i32 = arith.constant 0 : i32
    %c0_i32_0 = arith.constant 0 : i32
    return %arg0, %c0_i32 : i32, i32
  }
}

module attributes {stable_mosaic.version = 14 : i64} {
  func.func @_build_table_body(%arg0: i32, %arg1: memref<16x128xf32, #tpu.memory_space<vmem>>, %arg2: memref<16x128xf32, #tpu.memory_space<vmem>>, %arg3: memref<16x128xf32, #tpu.memory_space<vmem>>, %arg4: memref<16x128xf32, #tpu.memory_space<vmem>>, %arg5: memref<1x128xf32, #tpu.memory_space<vmem>>, %arg6: memref<1x128xf32, #tpu.memory_space<vmem>>, %arg7: memref<1024x128xf32, #tpu.memory_space<vmem>>) attributes {dimension_semantics = [#tpu.dimension_semantics<arbitrary>], iteration_bounds = array<i64: 10>, scalar_prefetch = 0 : i64, scratch_operands = 0 : i64, tpu.core_type = #tpu.core_type<tc>, window_params = [{pipeline_mode = #tpu.pipeline_mode<synchronous>, transform_indices = @transform_0, window_bounds = array<i64: 16, 128>}, {pipeline_mode = #tpu.pipeline_mode<synchronous>, transform_indices = @transform_1, window_bounds = array<i64: 16, 128>}, {pipeline_mode = #tpu.pipeline_mode<synchronous>, transform_indices = @transform_2, window_bounds = array<i64: 16, 128>}, {pipeline_mode = #tpu.pipeline_mode<synchronous>, transform_indices = @transform_3, window_bounds = array<i64: 16, 128>}, {pipeline_mode = #tpu.pipeline_mode<synchronous>, transform_indices = @transform_4, window_bounds = array<i64: 1, 128>}, {pipeline_mode = #tpu.pipeline_mode<synchronous>, transform_indices = @transform_5, window_bounds = array<i64: 1, 128>}, {transform_indices = @transform_6, window_bounds = array<i64: 1024, 128>}]} {
    %iota3A = tpu.iota {dimensions = array<i32: 0>} : vector<1024x1xi32>
    %mul3A = arith.constant 1024 : i32
    %mul3A_0 = arith.muli %arg0, %mul3A : i32
    %add3A = vector.broadcast %mul3A_0 : i32 to vector<1024x1xi32>
    %add3A_1 = arith.addi %iota3A, %add3A : vector<1024x1xi32>
    %iota3A_2 = tpu.iota {dimensions = array<i32: 1>} : vector<1024x16xi32>
    %jit3A = arith.constant 1000 : i32
    %div3A = vector.broadcast %jit3A : i32 to vector<1024x1xi32>
    %div3A_3 = arith.divsi %add3A_1, %div3A : vector<1024x1xi32>
    %sign3A = arith.constant 0 : i32
    %sign3A_4 = vector.broadcast %sign3A : i32 to vector<1024x1xi32>
    %sign3A_5 = arith.cmpi sgt, %add3A_1, %sign3A_4 : vector<1024x1xi32>
    %sign3A_6 = arith.extui %sign3A_5 : vector<1024x1xi1> to vector<1024x1xi32>
    %sign3A_7 = arith.constant 0 : i32
    %sign3A_8 = vector.broadcast %sign3A_7 : i32 to vector<1024x1xi32>
    %sign3A_9 = arith.cmpi slt, %add3A_1, %sign3A_8 : vector<1024x1xi32>
    %sign3A_10 = arith.extui %sign3A_9 : vector<1024x1xi1> to vector<1024x1xi32>
    %sign3A_11 = arith.subi %sign3A_6, %sign3A_10 : vector<1024x1xi32>
    %sign3A_12 = arith.constant 0 : i32
    %sign3A_13 = arith.cmpi sgt, %jit3A, %sign3A_12 : i32
    %sign3A_14 = arith.extui %sign3A_13 : i1 to i32
    %sign3A_15 = arith.constant 0 : i32
    %sign3A_16 = arith.cmpi slt, %jit3A, %sign3A_15 : i32
    %sign3A_17 = arith.extui %sign3A_16 : i1 to i32
    %sign3A_18 = arith.subi %sign3A_14, %sign3A_17 : i32
    %ne3A = vector.broadcast %sign3A_18 : i32 to vector<1024x1xi32>
    %ne3A_19 = arith.cmpi ne, %sign3A_11, %ne3A : vector<1024x1xi32>
    %rem3A = vector.broadcast %jit3A : i32 to vector<1024x1xi32>
    %rem3A_20 = arith.remsi %add3A_1, %rem3A : vector<1024x1xi32>
    %ne3A_21 = arith.constant 0 : i32
    %ne3A_22 = vector.broadcast %ne3A_21 : i32 to vector<1024x1xi32>
    %ne3A_23 = arith.cmpi ne, %rem3A_20, %ne3A_22 : vector<1024x1xi32>
    %and3A = arith.andi %ne3A_19, %ne3A_23 : vector<1024x1xi1>
    %sub3A = arith.constant 1 : i32
    %sub3A_24 = vector.broadcast %sub3A : i32 to vector<1024x1xi32>
    %sub3A_25 = arith.subi %div3A_3, %sub3A_24 : vector<1024x1xi32>
    %select_n3A = arith.select %and3A, %sub3A_25, %div3A_3 : vector<1024x1xi1>, vector<1024x1xi32>
    %eq3A = vector.broadcast %select_n3A : vector<1024x1xi32> to vector<1024x16xi32>
    %eq3A_26 = arith.cmpi eq, %eq3A, %iota3A_2 : vector<1024x16xi32>
    %convert_element_type3A = arith.extui %eq3A_26 : vector<1024x16xi1> to vector<1024x16xi32>
    %convert_element_type3A_27 = arith.sitofp %convert_element_type3A : vector<1024x16xi32> to vector<1024x16xf32>
    %get3A = arith.constant 0 : index
    %get3A_28 = arith.constant 0 : index
    %get3A_29 = vector.load %arg1[%get3A, %get3A_28] : memref<16x128xf32, #tpu.memory_space<vmem>>, vector<16x128xf32>
    %dot_general3A = arith.constant dense<0.000000e+00> : vector<1024x128xf32>
    %dot_general3A_30 = tpu.matmul %convert_element_type3A_27, %get3A_29, %dot_general3A {dimension_numbers = #tpu.dot_dimension_numbers<[1], [0], [0], [1], [0, 0, 1, 1], [], []>, precision = #tpu.contract_precision<fp32>, transpose_lhs_hint = false} : vector<1024x16xf32>, vector<16x128xf32>, vector<1024x128xf32> -> vector<1024x128xf32>
    %jit3A_31 = arith.constant 100 : i32
    %div3A_32 = vector.broadcast %jit3A_31 : i32 to vector<1024x1xi32>
    %div3A_33 = arith.divsi %add3A_1, %div3A_32 : vector<1024x1xi32>
    %sign3A_34 = arith.constant 0 : i32
    %sign3A_35 = vector.broadcast %sign3A_34 : i32 to vector<1024x1xi32>
    %sign3A_36 = arith.cmpi sgt, %add3A_1, %sign3A_35 : vector<1024x1xi32>
    %sign3A_37 = arith.extui %sign3A_36 : vector<1024x1xi1> to vector<1024x1xi32>
    %sign3A_38 = arith.constant 0 : i32
    %sign3A_39 = vector.broadcast %sign3A_38 : i32 to vector<1024x1xi32>
    %sign3A_40 = arith.cmpi slt, %add3A_1, %sign3A_39 : vector<1024x1xi32>
    %sign3A_41 = arith.extui %sign3A_40 : vector<1024x1xi1> to vector<1024x1xi32>
    %sign3A_42 = arith.subi %sign3A_37, %sign3A_41 : vector<1024x1xi32>
    %sign3A_43 = arith.constant 0 : i32
    %sign3A_44 = arith.cmpi sgt, %jit3A_31, %sign3A_43 : i32
    %sign3A_45 = arith.extui %sign3A_44 : i1 to i32
    %sign3A_46 = arith.constant 0 : i32
    %sign3A_47 = arith.cmpi slt, %jit3A_31, %sign3A_46 : i32
    %sign3A_48 = arith.extui %sign3A_47 : i1 to i32
    %sign3A_49 = arith.subi %sign3A_45, %sign3A_48 : i32
    %ne3A_50 = vector.broadcast %sign3A_49 : i32 to vector<1024x1xi32>
    %ne3A_51 = arith.cmpi ne, %sign3A_42, %ne3A_50 : vector<1024x1xi32>
    %rem3A_52 = vector.broadcast %jit3A_31 : i32 to vector<1024x1xi32>
    %rem3A_53 = arith.remsi %add3A_1, %rem3A_52 : vector<1024x1xi32>
    %ne3A_54 = arith.constant 0 : i32
    %ne3A_55 = vector.broadcast %ne3A_54 : i32 to vector<1024x1xi32>
    %ne3A_56 = arith.cmpi ne, %rem3A_53, %ne3A_55 : vector<1024x1xi32>
    %and3A_57 = arith.andi %ne3A_51, %ne3A_56 : vector<1024x1xi1>
    %sub3A_58 = arith.constant 1 : i32
    %sub3A_59 = vector.broadcast %sub3A_58 : i32 to vector<1024x1xi32>
    %sub3A_60 = arith.subi %div3A_33, %sub3A_59 : vector<1024x1xi32>
    %select_n3A_61 = arith.select %and3A_57, %sub3A_60, %div3A_33 : vector<1024x1xi1>, vector<1024x1xi32>
    %jit3A_62 = arith.constant 10 : i32
    %eq3A_63 = arith.constant 0 : i32
    %eq3A_64 = arith.cmpi eq, %jit3A_62, %eq3A_63 : i32
    %jit3A_65 = arith.constant 1 : i32
    %select_n3A_66 = arith.select %eq3A_64, %jit3A_65, %jit3A_62 : i32
    %rem3A_67 = vector.broadcast %select_n3A_66 : i32 to vector<1024x1xi32>
    %rem3A_68 = arith.remsi %select_n3A_61, %rem3A_67 : vector<1024x1xi32>
    %ne3A_69 = arith.constant 0 : i32
    %ne3A_70 = vector.broadcast %ne3A_69 : i32 to vector<1024x1xi32>
    %ne3A_71 = arith.cmpi ne, %rem3A_68, %ne3A_70 : vector<1024x1xi32>
    %lt3A = arith.constant 0 : i32
    %lt3A_72 = vector.broadcast %lt3A : i32 to vector<1024x1xi32>
    %lt3A_73 = arith.cmpi slt, %rem3A_68, %lt3A_72 : vector<1024x1xi32>
    %lt3A_74 = arith.constant 0 : i32
    %lt3A_75 = arith.cmpi slt, %select_n3A_66, %lt3A_74 : i32
    %ne3A_76 = vector.broadcast %lt3A_75 : i1 to vector<1024x1xi1>
    %ne3A_77 = vector.broadcast %ne3A_76 : vector<1024x1xi1> to vector<1024x1xi1>
    %ne3A_78 = arith.xori %lt3A_73, %ne3A_77 : vector<1024x1xi1>
    %and3A_79 = arith.andi %ne3A_78, %ne3A_71 : vector<1024x1xi1>
    %add3A_80 = vector.broadcast %select_n3A_66 : i32 to vector<1024x1xi32>
    %add3A_81 = arith.addi %rem3A_68, %add3A_80 : vector<1024x1xi32>
    %select_n3A_82 = arith.select %and3A_79, %add3A_81, %rem3A_68 : vector<1024x1xi1>, vector<1024x1xi32>
    %eq3A_83 = vector.broadcast %select_n3A_82 : vector<1024x1xi32> to vector<1024x16xi32>
    %eq3A_84 = arith.cmpi eq, %eq3A_83, %iota3A_2 : vector<1024x16xi32>
    %convert_element_type3A_85 = arith.extui %eq3A_84 : vector<1024x16xi1> to vector<1024x16xi32>
    %convert_element_type3A_86 = arith.sitofp %convert_element_type3A_85 : vector<1024x16xi32> to vector<1024x16xf32>
    %get3A_87 = arith.constant 0 : index
    %get3A_88 = arith.constant 0 : index
    %get3A_89 = vector.load %arg2[%get3A_87, %get3A_88] : memref<16x128xf32, #tpu.memory_space<vmem>>, vector<16x128xf32>
    %dot_general3A_90 = arith.constant dense<0.000000e+00> : vector<1024x128xf32>
    %dot_general3A_91 = tpu.matmul %convert_element_type3A_86, %get3A_89, %dot_general3A_90 {dimension_numbers = #tpu.dot_dimension_numbers<[1], [0], [0], [1], [0, 0, 1, 1], [], []>, precision = #tpu.contract_precision<fp32>, transpose_lhs_hint = false} : vector<1024x16xf32>, vector<16x128xf32>, vector<1024x128xf32> -> vector<1024x128xf32>
    %add3A_92 = arith.addf %dot_general3A_30, %dot_general3A_91 : vector<1024x128xf32>
    %jit3A_93 = arith.constant 10 : i32
    %div3A_94 = vector.broadcast %jit3A_93 : i32 to vector<1024x1xi32>
    %div3A_95 = arith.divsi %add3A_1, %div3A_94 : vector<1024x1xi32>
    %sign3A_96 = arith.constant 0 : i32
    %sign3A_97 = vector.broadcast %sign3A_96 : i32 to vector<1024x1xi32>
    %sign3A_98 = arith.cmpi sgt, %add3A_1, %sign3A_97 : vector<1024x1xi32>
    %sign3A_99 = arith.extui %sign3A_98 : vector<1024x1xi1> to vector<1024x1xi32>
    %sign3A_100 = arith.constant 0 : i32
    %sign3A_101 = vector.broadcast %sign3A_100 : i32 to vector<1024x1xi32>
    %sign3A_102 = arith.cmpi slt, %add3A_1, %sign3A_101 : vector<1024x1xi32>
    %sign3A_103 = arith.extui %sign3A_102 : vector<1024x1xi1> to vector<1024x1xi32>
    %sign3A_104 = arith.subi %sign3A_99, %sign3A_103 : vector<1024x1xi32>
    %sign3A_105 = arith.constant 0 : i32
    %sign3A_106 = arith.cmpi sgt, %jit3A_93, %sign3A_105 : i32
    %sign3A_107 = arith.extui %sign3A_106 : i1 to i32
    %sign3A_108 = arith.constant 0 : i32
    %sign3A_109 = arith.cmpi slt, %jit3A_93, %sign3A_108 : i32
    %sign3A_110 = arith.extui %sign3A_109 : i1 to i32
    %sign3A_111 = arith.subi %sign3A_107, %sign3A_110 : i32
    %ne3A_112 = vector.broadcast %sign3A_111 : i32 to vector<1024x1xi32>
    %ne3A_113 = arith.cmpi ne, %sign3A_104, %ne3A_112 : vector<1024x1xi32>
    %rem3A_114 = vector.broadcast %jit3A_93 : i32 to vector<1024x1xi32>
    %rem3A_115 = arith.remsi %add3A_1, %rem3A_114 : vector<1024x1xi32>
    %ne3A_116 = arith.constant 0 : i32
    %ne3A_117 = vector.broadcast %ne3A_116 : i32 to vector<1024x1xi32>
    %ne3A_118 = arith.cmpi ne, %rem3A_115, %ne3A_117 : vector<1024x1xi32>
    %and3A_119 = arith.andi %ne3A_113, %ne3A_118 : vector<1024x1xi1>
    %sub3A_120 = arith.constant 1 : i32
    %sub3A_121 = vector.broadcast %sub3A_120 : i32 to vector<1024x1xi32>
    %sub3A_122 = arith.subi %div3A_95, %sub3A_121 : vector<1024x1xi32>
    %select_n3A_123 = arith.select %and3A_119, %sub3A_122, %div3A_95 : vector<1024x1xi1>, vector<1024x1xi32>
    %jit3A_124 = arith.constant 10 : i32
    %eq3A_125 = arith.constant 0 : i32
    %eq3A_126 = arith.cmpi eq, %jit3A_124, %eq3A_125 : i32
    %jit3A_127 = arith.constant 1 : i32
    %select_n3A_128 = arith.select %eq3A_126, %jit3A_127, %jit3A_124 : i32
    %rem3A_129 = vector.broadcast %select_n3A_128 : i32 to vector<1024x1xi32>
    %rem3A_130 = arith.remsi %select_n3A_123, %rem3A_129 : vector<1024x1xi32>
    %ne3A_131 = arith.constant 0 : i32
    %ne3A_132 = vector.broadcast %ne3A_131 : i32 to vector<1024x1xi32>
    %ne3A_133 = arith.cmpi ne, %rem3A_130, %ne3A_132 : vector<1024x1xi32>
    %lt3A_134 = arith.constant 0 : i32
    %lt3A_135 = vector.broadcast %lt3A_134 : i32 to vector<1024x1xi32>
    %lt3A_136 = arith.cmpi slt, %rem3A_130, %lt3A_135 : vector<1024x1xi32>
    %lt3A_137 = arith.constant 0 : i32
    %lt3A_138 = arith.cmpi slt, %select_n3A_128, %lt3A_137 : i32
    %ne3A_139 = vector.broadcast %lt3A_138 : i1 to vector<1024x1xi1>
    %ne3A_140 = vector.broadcast %ne3A_139 : vector<1024x1xi1> to vector<1024x1xi1>
    %ne3A_141 = arith.xori %lt3A_136, %ne3A_140 : vector<1024x1xi1>
    %and3A_142 = arith.andi %ne3A_141, %ne3A_133 : vector<1024x1xi1>
    %add3A_143 = vector.broadcast %select_n3A_128 : i32 to vector<1024x1xi32>
    %add3A_144 = arith.addi %rem3A_130, %add3A_143 : vector<1024x1xi32>
    %select_n3A_145 = arith.select %and3A_142, %add3A_144, %rem3A_130 : vector<1024x1xi1>, vector<1024x1xi32>
    %eq3A_146 = vector.broadcast %select_n3A_145 : vector<1024x1xi32> to vector<1024x16xi32>
    %eq3A_147 = arith.cmpi eq, %eq3A_146, %iota3A_2 : vector<1024x16xi32>
    %convert_element_type3A_148 = arith.extui %eq3A_147 : vector<1024x16xi1> to vector<1024x16xi32>
    %convert_element_type3A_149 = arith.sitofp %convert_element_type3A_148 : vector<1024x16xi32> to vector<1024x16xf32>
    %get3A_150 = arith.constant 0 : index
    %get3A_151 = arith.constant 0 : index
    %get3A_152 = vector.load %arg3[%get3A_150, %get3A_151] : memref<16x128xf32, #tpu.memory_space<vmem>>, vector<16x128xf32>
    %dot_general3A_153 = arith.constant dense<0.000000e+00> : vector<1024x128xf32>
    %dot_general3A_154 = tpu.matmul %convert_element_type3A_149, %get3A_152, %dot_general3A_153 {dimension_numbers = #tpu.dot_dimension_numbers<[1], [0], [0], [1], [0, 0, 1, 1], [], []>, precision = #tpu.contract_precision<fp32>, transpose_lhs_hint = false} : vector<1024x16xf32>, vector<16x128xf32>, vector<1024x128xf32> -> vector<1024x128xf32>
    %add3A_155 = arith.addf %add3A_92, %dot_general3A_154 : vector<1024x128xf32>
    %jit3A_156 = arith.constant 10 : i32
    %eq3A_157 = arith.constant 0 : i32
    %eq3A_158 = arith.cmpi eq, %jit3A_156, %eq3A_157 : i32
    %jit3A_159 = arith.constant 1 : i32
    %select_n3A_160 = arith.select %eq3A_158, %jit3A_159, %jit3A_156 : i32
    %rem3A_161 = vector.broadcast %select_n3A_160 : i32 to vector<1024x1xi32>
    %rem3A_162 = arith.remsi %add3A_1, %rem3A_161 : vector<1024x1xi32>
    %ne3A_163 = arith.constant 0 : i32
    %ne3A_164 = vector.broadcast %ne3A_163 : i32 to vector<1024x1xi32>
    %ne3A_165 = arith.cmpi ne, %rem3A_162, %ne3A_164 : vector<1024x1xi32>
    %lt3A_166 = arith.constant 0 : i32
    %lt3A_167 = vector.broadcast %lt3A_166 : i32 to vector<1024x1xi32>
    %lt3A_168 = arith.cmpi slt, %rem3A_162, %lt3A_167 : vector<1024x1xi32>
    %lt3A_169 = arith.constant 0 : i32
    %lt3A_170 = arith.cmpi slt, %select_n3A_160, %lt3A_169 : i32
    %ne3A_171 = vector.broadcast %lt3A_170 : i1 to vector<1024x1xi1>
    %ne3A_172 = vector.broadcast %ne3A_171 : vector<1024x1xi1> to vector<1024x1xi1>
    %ne3A_173 = arith.xori %lt3A_168, %ne3A_172 : vector<1024x1xi1>
    %and3A_174 = arith.andi %ne3A_173, %ne3A_165 : vector<1024x1xi1>
    %add3A_175 = vector.broadcast %select_n3A_160 : i32 to vector<1024x1xi32>
    %add3A_176 = arith.addi %rem3A_162, %add3A_175 : vector<1024x1xi32>
    %select_n3A_177 = arith.select %and3A_174, %add3A_176, %rem3A_162 : vector<1024x1xi1>, vector<1024x1xi32>
    %eq3A_178 = vector.broadcast %select_n3A_177 : vector<1024x1xi32> to vector<1024x16xi32>
    %eq3A_179 = arith.cmpi eq, %eq3A_178, %iota3A_2 : vector<1024x16xi32>
    %convert_element_type3A_180 = arith.extui %eq3A_179 : vector<1024x16xi1> to vector<1024x16xi32>
    %convert_element_type3A_181 = arith.sitofp %convert_element_type3A_180 : vector<1024x16xi32> to vector<1024x16xf32>
    %get3A_182 = arith.constant 0 : index
    %get3A_183 = arith.constant 0 : index
    %get3A_184 = vector.load %arg4[%get3A_182, %get3A_183] : memref<16x128xf32, #tpu.memory_space<vmem>>, vector<16x128xf32>
    %dot_general3A_185 = arith.constant dense<0.000000e+00> : vector<1024x128xf32>
    %dot_general3A_186 = tpu.matmul %convert_element_type3A_181, %get3A_184, %dot_general3A_185 {dimension_numbers = #tpu.dot_dimension_numbers<[1], [0], [0], [1], [0, 0, 1, 1], [], []>, precision = #tpu.contract_precision<fp32>, transpose_lhs_hint = false} : vector<1024x16xf32>, vector<16x128xf32>, vector<1024x128xf32> -> vector<1024x128xf32>
    %add3A_187 = arith.addf %add3A_155, %dot_general3A_186 : vector<1024x128xf32>
    %reduce_sum3A = arith.constant dense<0.000000e+00> : vector<1024xf32>
    %reduce_sum3A_188 = vector.multi_reduction <add>, %add3A_187, %reduce_sum3A [1] : vector<1024x128xf32> to vector<1024xf32>
    %broadcast_in_dim3A = vector.shape_cast %reduce_sum3A_188 : vector<1024xf32> to vector<1024x1xf32>
    %div3A_189 = arith.constant 1.280000e+02 : f32
    %div3A_190 = vector.broadcast %div3A_189 : f32 to vector<1024x1xf32>
    %div3A_191 = arith.divf %broadcast_in_dim3A, %div3A_190 : vector<1024x1xf32>
    %sub3A_192 = vector.broadcast %div3A_191 : vector<1024x1xf32> to vector<1024x128xf32>
    %sub3A_193 = arith.subf %add3A_187, %sub3A_192 : vector<1024x128xf32>
    %mul3A_194 = arith.mulf %sub3A_193, %sub3A_193 : vector<1024x128xf32>
    %reduce_sum3A_195 = arith.constant dense<0.000000e+00> : vector<1024xf32>
    %reduce_sum3A_196 = vector.multi_reduction <add>, %mul3A_194, %reduce_sum3A_195 [1] : vector<1024x128xf32> to vector<1024xf32>
    %broadcast_in_dim3A_197 = vector.shape_cast %reduce_sum3A_196 : vector<1024xf32> to vector<1024x1xf32>
    %div3A_198 = arith.constant 1.280000e+02 : f32
    %div3A_199 = vector.broadcast %div3A_198 : f32 to vector<1024x1xf32>
    %div3A_200 = arith.divf %broadcast_in_dim3A_197, %div3A_199 : vector<1024x1xf32>
    %add3A_201 = arith.constant 9.99999974E-6 : f32
    %add3A_202 = vector.broadcast %add3A_201 : f32 to vector<1024x1xf32>
    %add3A_203 = arith.addf %div3A_200, %add3A_202 : vector<1024x1xf32>
    %rsqrt3A = math.rsqrt %add3A_203 : vector<1024x1xf32>
    %mul3A_204 = vector.broadcast %rsqrt3A : vector<1024x1xf32> to vector<1024x128xf32>
    %mul3A_205 = arith.mulf %sub3A_193, %mul3A_204 : vector<1024x128xf32>
    %get3A_206 = arith.constant 0 : index
    %get3A_207 = arith.constant 0 : index
    %get3A_208 = vector.load %arg5[%get3A_206, %get3A_207] : memref<1x128xf32, #tpu.memory_space<vmem>>, vector<1x128xf32>
    %mul3A_209 = vector.broadcast %get3A_208 : vector<1x128xf32> to vector<1024x128xf32>
    %mul3A_210 = arith.mulf %mul3A_205, %mul3A_209 : vector<1024x128xf32>
    %get3A_211 = arith.constant 0 : index
    %get3A_212 = arith.constant 0 : index
    %get3A_213 = vector.load %arg6[%get3A_211, %get3A_212] : memref<1x128xf32, #tpu.memory_space<vmem>>, vector<1x128xf32>
    %add3A_214 = vector.broadcast %get3A_213 : vector<1x128xf32> to vector<1024x128xf32>
    %add3A_215 = arith.addf %mul3A_210, %add3A_214 : vector<1024x128xf32>
    %swap3A = arith.constant 0 : index
    %swap3A_216 = arith.constant 0 : index
    %swap3A_217 = vector.load %arg7[%swap3A, %swap3A_216] : memref<1024x128xf32, #tpu.memory_space<vmem>>, vector<1024x128xf32>
    tpu.vector_store %arg7[%swap3A, %swap3A_216], %add3A_215 {strides = array<i32>} : memref<1024x128xf32, #tpu.memory_space<vmem>>, vector<1024x128xf32>,
    return
  }
  func.func @transform_0(%arg0: i32) -> (i32, i32) {
    %c0_i32 = arith.constant 0 : i32
    %c0_i32_0 = arith.constant 0 : i32
    %c0_i32_1 = arith.constant 0 : i32
    return %c0_i32, %c0_i32_0 : i32, i32
  }
  func.func @transform_1(%arg0: i32) -> (i32, i32) {
    %c0_i32 = arith.constant 0 : i32
    %c0_i32_0 = arith.constant 0 : i32
    %c0_i32_1 = arith.constant 0 : i32
    return %c0_i32, %c0_i32_0 : i32, i32
  }
  func.func @transform_2(%arg0: i32) -> (i32, i32) {
    %c0_i32 = arith.constant 0 : i32
    %c0_i32_0 = arith.constant 0 : i32
    %c0_i32_1 = arith.constant 0 : i32
    return %c0_i32, %c0_i32_0 : i32, i32
  }
  func.func @transform_3(%arg0: i32) -> (i32, i32) {
    %c0_i32 = arith.constant 0 : i32
    %c0_i32_0 = arith.constant 0 : i32
    %c0_i32_1 = arith.constant 0 : i32
    return %c0_i32, %c0_i32_0 : i32, i32
  }
  func.func @transform_4(%arg0: i32) -> (i32, i32) {
    %c0_i32 = arith.constant 0 : i32
    %c0_i32_0 = arith.constant 0 : i32
    %c0_i32_1 = arith.constant 0 : i32
    return %c0_i32, %c0_i32_0 : i32, i32
  }
  func.func @transform_5(%arg0: i32) -> (i32, i32) {
    %c0_i32 = arith.constant 0 : i32
    %c0_i32_0 = arith.constant 0 : i32
    %c0_i32_1 = arith.constant 0 : i32
    return %c0_i32, %c0_i32_0 : i32, i32
  }
  func.func @transform_6(%arg0: i32) -> (i32, i32) {
    %c0_i32 = arith.constant 0 : i32
    %c0_i32_0 = arith.constant 0 : i32
    return %arg0, %c0_i32 : i32, i32
  }
}

</mosaic_0001>

<sc_bundles>
// kernel: kernel.5.cloned.1.call-start
scs
__scs_entry_jumppad:
0x0: {  	(pc) =	sbr.rel $0x88, $3  }
0x1: {  	(tag) =	ssettag $0x0;
	lr =	simm.s32 $0x1  }
0x2: {  	[smem:$0x3F9A] =	sst lr;
	_ =	strace $0xD0000000  }
0x3: {  	_ = 	snop  }
0x4: {  	_ = 	snop  }
0x5: {  	_ = 	snop  }
0x6: {  	_ = 	snop  }
0x7: {  	_ = 	snop  }
__scs_overlays_trampoline_lowered:
0x8: {  	[smem:$0x3FA9] =	sst s0  }
0x9: {  	[smem:$0x3FAA] =	sst s1  }
0xa: {  	[smem:$0x3FAB] =	sst s2  }
0xb: {  	[smem:$0x3FAC] =	sst s3  }
0xc: {  	[smem:$0x3FAD] =	sst s4  }
0xd: {  	[smem:$0x3FAE] =	sst s5  }
0xe: {  	[smem:$0x3FAF] =	sst s6  }
0xf: {  	[smem:$0x3FB0] =	sst s7  }
0x10: {  	[smem:$0x3FB1] =	sst s8  }
0x11: {  	[smem:$0x3FB2] =	sst s9;
	s0 =	simm.s32 @!p0 $0x0  }
0x12: {  	s1 =	sld [smem:$0x3F98];
	s0 =	simm.s32 @p0 $0x1  }
0x13: {  	[smem:$0x3FB3] =	sst s0;
	s0 =	simm.s32 @!p1 $0x0  }
0x14: {  	s2 =	sld [smem:$0x3F97];
	s0 =	simm.s32 @p1 $0x1  }
0x15: {  	[smem:$0x3FB4] =	sst s0;
	s0 =	simm.s32 @!p2 $0x0  }
0x16: {  	s3 =	sld [smem:$0x3FDB];
	s0 =	simm.s32 @p2 $0x1  }
0x17: {  	s4 =	simm.s32 $0x1BF5;
	[smem:$0x3FB6] =	sst s0  }
0x18: {  	s0 =	sld [smem:$0x3F99];
	_ =	swait.ge [sflag:s4], $0x0  }
0x19: {  	s7 =	sld [smem:$0x3F9A]  }
0x1a: {  	s8 =	sadd.s32 $0xFFFFE003, lr  }
0x1b: {  	s9 =	sadd.s32 $0xFFFFFEF7, lr;
	s5 =	simm.s32 $0xFFFFFFFF;
	p2 =	slt.u32 s8, $0xFFFFF086  }
0x1c: {  	p1 =	slt.u32 s9, $0xF7A;
	s5 =	simm.s32 @!p2 $0x0  }
0x1d: {  	s5 =	simm.s32 @p1 $0x1;
	p0 =	seq.s32 s7, s2  }
0x1e: {  	s7 =	smul.u32 @!p0 $0xF7A, s2;
	p2 =	seq.s32 @!p0 s5, $0x0  }
0x1f: {  	s9 =	smul.u32 $0xF7A, s1;
	s8 =	simm.s32 @!p0 $0x1BF5;
	p2 =	por !p2, p0  }
0x20: {  	[sflag:s8] =	ssyncset.s32 @!p0 $0xFFFFF086;
	s6 =	sadd.s32 @!p0 s3, s7;
	s7 =	simm.s32 @!p0 $0x108  }
0x21: {  	s3 =	sadd.s32 s3, s9;
	s6 =	sadd.s32 @!p0 $0x88, s6;
	s7 =	simm.s32 @p2 $0x1082  }
0x22: {  	[simem:s7], [sflag:s8] =	dma.local @!p0 [hbm:s6], $0xF7A  }
0x23: {  	s9 =	sor.u32 $0xD0000000, s2;
	s6 =	simm.s32 $0x108;
	_ =	swait.ge @!p0 [sflag:s8], $0x0  }
0x24: {  	s3 =	sadd.s32 $0x88, s3;
	s6 =	simm.s32 @!p1 $0x1082;
	[sflag:s4] =	ssyncset.s32 $0xFFFFF086  }
0x25: {  	[simem:s6], [sflag:s4] =	dma.local [hbm:s3], $0xF7A  }
0x26: {  	[smem:$0x3F9A] =	sst s1;
	(tag) =	ssettag s2;
	_ =	strace s9  }
0x27: {  	s1 =	sld [smem:$0x3FAA]  }
0x28: {  	s2 =	sld [smem:$0x3FAB]  }
0x29: {  	s4 =	sld [smem:$0x3FAD]  }
0x2a: {  	p0 =	seq.s32 s5, $0x0;
	s5 =	sld [smem:$0x3FAE]  }
0x2b: {  	s6 =	sld [smem:$0x3FAF]  }
0x2c: {  	s7 =	sld [smem:$0x3FB0]  }
0x2d: {  	s3 =	simm.s32 $0x108;
	s8 =	sld [smem:$0x3FB1]  }
0x2e: {  	s3 =	simm.s32 @!p0 $0x1082;
	s9 =	sld [smem:$0x3FB2]  }
0x2f: {  	lr =	sadd.s32 s0, s3;
	s0 =	sld [smem:$0x3FA9]  }
0x30: {  	s3 =	sld [smem:$0x3FAC]  }
0x31: {  	[smem:$0x3FB5] =	sst s10  }
0x32: {  	s10 =	sld [smem:$0x3FB3];
	_ =	sdelay $0x3  }
0x33: {  	p0 =	seq.s32 s10, $0x1;
	s10 =	sld [smem:$0x3FB5];
	_ =	sdelay $0x3  }
0x34: {  	[smem:$0x3FB5] =	sst s10  }
0x35: {  	s10 =	sld [smem:$0x3FB4];
	_ =	sdelay $0x3  }
0x36: {  	p1 =	seq.s32 s10, $0x1;
	s10 =	sld [smem:$0x3FB5];
	_ =	sdelay $0x3  }
0x37: {  	[smem:$0x3FB5] =	sst s10  }
0x38: {  	s10 =	sld [smem:$0x3FB6]  }
0x39: {  	_ = 	snop;
	(pc) =	sbr.ind lr, $3  }
0x3a: {  	_ = 	snop  }
0x3b: {  	_ = 	snop  }
0x3c: {  	p2 =	seq.s32 s10, $0x1;
	s10 =	sld [smem:$0x3FB5]  }
0x3d: {  	_ =	shalt  }
0x3e: {  	_ =	shalt  }
0x3f: {  	_ =	shalt  }
0x40: {  	_ =	shalt  }
0x41: {  	_ =	shalt  }
0x42: {  	_ =	shalt  }
0x43: {  	_ =	shalt  }
0x44: {  	_ =	shalt  }
0x45: {  	_ =	shalt  }
0x46: {  	_ =	shalt  }
0x47: {  	_ =	shalt  }
0x48: {  	_ =	shalt  }
0x49: {  	_ =	shalt  }
0x4a: {  	_ =	shalt  }
0x4b: {  	_ =	shalt  }
0x4c: {  	_ =	shalt  }
0x4d: {  	_ =	shalt  }
0x4e: {  	_ =	shalt  }
0x4f: {  	_ =	shalt  }
0x50: {  	_ =	shalt  }
0x51: {  	_ =	shalt  }
0x52: {  	_ =	shalt  }
0x53: {  	_ =	shalt  }
0x54: {  	_ =	shalt  }
0x55: {  	_ =	shalt  }
0x56: {  	_ =	shalt  }
0x57: {  	_ =	shalt  }
0x58: {  	_ =	shalt  }
0x59: {  	_ =	shalt  }
0x5a: {  	_ =	shalt  }
0x5b: {  	_ =	shalt  }
0x5c: {  	_ =	shalt  }
0x5d: {  	_ =	shalt  }
0x5e: {  	_ =	shalt  }
0x5f: {  	_ =	shalt  }
0x60: {  	_ =	shalt  }
0x61: {  	_ =	shalt  }
0x62: {  	_ =	shalt  }
0x63: {  	_ =	shalt  }
0x64: {  	_ =	shalt  }
0x65: {  	_ =	shalt  }
0x66: {  	_ =	shalt  }
0x67: {  	_ =	shalt  }
0x68: {  	_ =	shalt  }
0x69: {  	_ =	shalt  }
0x6a: {  	_ =	shalt  }
0x6b: {  	_ =	shalt  }
0x6c: {  	_ =	shalt  }
0x6d: {  	_ =	shalt  }
0x6e: {  	_ =	shalt  }
0x6f: {  	_ =	shalt  }
0x70: {  	_ =	shalt  }
0x71: {  	_ =	shalt  }
0x72: {  	_ =	shalt  }
0x73: {  	_ =	shalt  }
0x74: {  	_ =	shalt  }
0x75: {  	_ =	shalt  }
0x76: {  	_ =	shalt  }
0x77: {  	_ =	shalt  }
0x78: {  	_ =	shalt  }
0x79: {  	_ =	shalt  }
0x7a: {  	_ =	shalt  }
0x7b: {  	_ =	shalt  }
0x7c: {  	_ =	shalt  }
0x7d: {  	_ =	shalt  }
0x7e: {  	_ =	shalt  }
0x7f: {  	_ =	shalt  }
0x80: {  	_ =	shalt  }
0x81: {  	_ =	shalt  }
0x82: {  	_ =	shalt  }
0x83: {  	_ =	shalt  }
0x84: {  	_ =	shalt  }
0x85: {  	_ =	shalt  }
0x86: {  	_ =	shalt  }
0x87: {  	_ =	shalt  }
.Lfunc_end0:
.L_simem_size_0:
called_computation.1_lowered:
.L_overlay_start_0:
0x88: {  	s2 =	sld [smem:$0x3FD9]  }
0x89: {  	s3 =	sld [smem:$0x3FFE];
	_ =	sdelay $0x1  }
0x8a: {  	s1 =	srdreg.scid  }
0x8b: {  	s0 =	sand.u32 $0x1, s1  }
0x8c: {  	s17 =	sshll.u32 s0, $0xA;
	s2 =	sadd.s32 s3, s2  }
0x8d: {  	s2 =	sadd.s32 s2, s17  }
0x8e: {  	[smem:$0x3FC1] =	sst s2  }
0x8f: {  	_ = 	snop  }
0x90: {  	s2 =	sld [smem:$0x3FD0];
	(tm) =	ssettm $0x1  }
0x91: {  	s18 =	sld [smem:$0x3FFB];
	_ =	sdelay $0x3  }
0x92: {  	_ =	strace s18  }
0x93: {  	s3 =	sld [smem:$0x3FFC];
	_ =	sdelay $0x3  }
0x94: {  	_ =	strace s3  }
0x95: {  	s3 =	sld [smem:$0x3FFD];
	_ =	sdelay $0x3  }
0x96: {  	_ =	strace s3  }
0x97: {  	_ =	strace $0x8FFFFFFF  }
0x98: {  	s19 =	sld [smem:$0x3FDB];
	_ =	sdelay $0x1  }
0x99: {  	s4 =	simm.s32 $_scs_section_size  }
0x9a: {  	s5 =	simm.s32 $_size__tile_overlayer_lowered;
	s6 =	simm.s32 $_tile_overlayer_lowered  }
0x9b: {  	s22 =	simm.s32 $0x1BFF;
	s21 =	sshll.u32 s6, $0x1;
	s3 =	sadd.s32 s4, s19  }
0x9c: {  	s7 =	simm.s32 $0x0;
	s20 =	sshll.u32 s5, $0x1;
	s5 =	sadd.s32 s21, s3  }
0x9d: {  	[timem:s7], [sflag:s22] =	dma.local [hbm:s5], s20  }
0x9e: {  	_ =	swait.ge [sflag:s22], s20  }
0x9f: {  	s4 =	ssub.s32 $0x0, s20;
	[sflag:s22] =	ssyncset.done $0x0  }
0xa0: {  	[sflag:s22] =	ssyncadd.s32 s4;
	_ =	sdelay $0x1  }
0xa1: {  	s23 =	simm.s32 $0x1B8B  }
0xa2: {  	_ =	swait.ge [sflag:s23], $0x1  }
0xa3: {  	[sflag:s23] =	ssyncset.done $0x0  }
0xa4: {  	s25 =	simm.s32 $0x1B8E;
	s24 =	sld [smem:$0x3FFE];
	[sflag:s23] =	ssyncadd.s32 $0xFFFFFFFF  }
0xa5: {  	s26 =	simm.s32 $execute0_lowered;
	[smem:$0x3FD2] =	sst s25  }
0xa6: {  	s5 =	sshll.u32 s26, $0x1;
	_ =	strace $0x80000046;
	[dreg:$0x1] =	wrdreg $0xFFFFFFFF  }
0xa7: {  	s28 =	simm.s32 $_size_execute0_lowered;
	s3 =	sadd.s32 s3, s5;
	[dreg:$0x0] =	wrdreg $0x0  }
0xa8: {  	s5 =	sshll.u32 s28, $0x1;
	[dreg:$0x2] =	wrdreg s3  }
0xa9: {  	[dreg:$0x3] =	wrdreg s5  }
0xaa: {  	[dreg:$0x4] =	wrdreg $0xC0  }
0xab: {  	_ =	task [dreg:s7], $0x5FFFF  }
0xac: {  	[dreg:$0x1] =	wrdreg $0xFFFFFFFF  }
0xad: {  	[dreg:$0x0] =	wrdreg $0x60  }
0xae: {  	[dreg:$0x2] =	wrdreg s24  }
0xaf: {  	[dreg:$0x3] =	wrdreg s2  }
0xb0: {  	[dreg:$0x4] =	wrdreg $0x9  }
0xb1: {  	_ =	task.clear_ibuf [dreg:s7], $0x5FFFF;
	_ =	strace $0x90000046  }
0xb2: {  	s29 =	simm.s32 $0x9;
	_ =	strace $0x80000048  }
0xb3: {  	_ =	swait.ge [sflag:s29], $0x1  }
0xb4: {  	[sflag:s29] =	ssyncadd.s32 $0xFFFFFFFF  }
0xb5: {  	_ =	strace $0x90000048  }
0xb6: {  	_ =	sfence  }
0xb7: {  	s30 =	sld [smem:$0x0];
	_ =	sdelay $0x2  }
0xb8: {  	s31 =	sshll.u32 s1, $0xD;
	s1 =	sshrl.u32 s1, $0x2  }
0xb9: {  	s3 =	sand.u32 $0x4000, s31;
	s1 =	sadd.s32 s1, s30  }
0xba: {  	s0 =	sor.u32 s3, s0;
	s1 =	sshll.u32 s1, $0x11  }
0xbb: {  	s0 =	sor.u32 s1, s0  }
0xbc: {  	s0 =	sadd.s32 $0x8F2B, s0  }
0xbd: {  	[sflag:s0] =	ssyncadd.remote.s32 $0x1  }
0xbe: {  	_ =	sfence.sel $0xFFFF  }
0xbf: {  	[dreg:$0x0] =	wrdreg $0xFFFFFFFF;
	(pc) =	sbr.abs _section_cstart, $3  }
0xc0: {  	[dreg:$0x1] =	wrdreg $0xFFFFFFFF  }
0xc1: {  	_ =	task.clear_ibuf [dreg:s7], $0x2FFFF;
	_ =	strace $0x9FFFFFFF  }
0xc2: {  	(tm) =	ssettm $0x7FFFFFFF  }
0xc3: {  	_ =	shalt  }
tec
execute0_lowered:
.L_overlay_start_1:
0x0: {  	(tag) =	ssettag $0x1  }
0x1: {  	s0 =	rddreg [dreg:$0x0]  }
0x2: {  	s1 =	srdreg.scid;
	s16 =	stileid.u32  }
0x3: {  	s5 =	rddreg [dreg:$0x1];
	s2 =	simm.s32 $0x0;
	s28 =	simm.s32 $0xC200  }
0x4: {  	s29 =	simm.s32 $0x1;
	s1 =	sand.u32 $0x1, s1;
	s3 =	sshll.u32 s16, $0x1  }
0x5: {  	s30 =	simm.s32 $0x3;
	s31 =	simm.s32 $0x2;
	s4 =	sor.u32 s1, s3  }
0x6: {  	[smem:$0x7FF] =	sst s2;
	s7 =	ssub.s32 $0x2, s1;
	s6 =	smul.u32 $0x1900, s4  }
0x7: {  	_ =	strace $0x80000047;
	s9 =	smul.u32 $0xC8000, s4;
	s13 =	sshrl.u32 s7, $0x1  }
0x8: {  	s3 =	sadd.s32 $0x1000, s0;
	s4 =	sadd.s32 $0x7400, s0;
	s0 =	ssub.s32 s7, s13  }
0x9: {  	s8 =	sshrl.u32 s6, $0x3;
	s15 =	sshrl.u32 s9, $0x3;
	s11 =	sadd.s32 $0x1600, s6  }
0xa: {  	s13 =	sadd.s32 $0x1700, s6;
	s6 =	sadd.s32 $0x1800, s6;
	s8 =	sadd.s32 s3, s8  }
0xb: {  	s7 =	sadd.s32 s5, s15;
	s18 =	sshrl.u32 s11, $0x3;
	s10 =	sshrl.u32 s13, $0x3  }
0xc: {  	s20 =	sshll.u32 s11, $0x4;
	s21 =	sshrl.u32 s6, $0x3;
	s15 =	smul.u32 $0x1900, s1  }
0xd: {  	s22 =	sshll.u32 s13, $0x4;
	s1 =	smul.u32 $0x19000, s1;
	s6 =	sshll.u32 s6, $0x4  }
0xe: {  	[dreg:$0x3] =	wrdreg s8;
	s14 =	sadd.s32 $0x20, s8;
	s17 =	sadd.s32 $0x14000, s7  }
0xf: {  	s8 =	sadd.s32 s3, s18;
	s7 =	sadd.s32 $0x15000, s7;
	s19 =	sadd.s32 s3, s10  }
0x10: {  	s11 =	sadd.s32 s5, s20;
	s12 =	sadd.s32 s3, s21;
	[dreg:$0x4] =	wrdreg s14  }
0x11: {  	s13 =	sadd.s32 s5, s22;
	s20 =	simm.s32 $0x80;
	[dreg:$0x5] =	wrdreg s17  }
0x12: {  	s21 =	simm.s32 $0x200;
	[dreg:$0x6] =	wrdreg s8;
	s14 =	smul.u32 $0x3200, s16  }
0x13: {  	s22 =	simm.s32 $0x4200;
	[dreg:$0x7] =	wrdreg s7;
	s16 =	smul.u32 $0x32000, s16  }
0x14: {  	[dreg:$0x8] =	wrdreg s19;
	s19 =	simm.s32 $0x5;
	s23 =	sadd.s32 s15, s14  }
0x15: {  	s24 =	sadd.s32 s16, s5;
	s14 =	sadd.s32 s5, s6;
	s15 =	smax.u32 s0, $0x1  }
0x16: {  	s0 =	simm.s32 $0x0;
	s25 =	sadd.s32 $0x300, s23;
	s1 =	sadd.s32 s1, s24  }
0x17: {  	s18 =	sadd.s32 $0x200, s23;
	s23 =	simm.s32 $0x100;
	s24 =	simm.s32 $0x6  }
0x18: {  	s26 =	sshrl.u32 s25, $0x3;
	s16 =	sadd.s32 $0x1000, s1;
	s25 =	simm.s32 $0x8200  }
0x19: {  	s1 =	simm.s32 $0x4;
	s17 =	sadd.s32 s26, s3;
	s26 =	simm.s32 $0x180  }
.LBB2_1:
0x1a: {  	s5 =	rddreg [dreg:$0x3]  }
0x1b: {  	[tilespmem:s2], [sflag:$0x5] =	stream.linear.gather [hbm4b:s5+s2], $0x100, $0x38;
	[tilespmem:$0x10200] =	vst v63  }
0x1c: {  	_ =	swait.ge [sflag:s19], $0x100  }
0x1d: {  	[sflag:s19] =	ssyncset.done $0x0  }
0x1e: {  	[sflag:s19] =	ssyncadd.s32 $0xFFFFFF00  }
0x1f: {  	[tilespmem:s21], [sflag:$0x1] =	stream.indirect.gather [hbm4b:s4+s20], $0x80, s2, s20, $0xb8;
	[tilespmem:$0x10200] =	vst v63  }
0x20: {  	_ = 	snop  }
0x21: {  	[tilespmem:s22], [sflag:$0x1] =	stream.indirect.gather [hbm4b:s4+s20], $0x80, s20, s20, $0xb8;
	[tilespmem:$0x10200] =	vst v63  }
0x22: {  	s7 =	rddreg [dreg:$0x4]  }
0x23: {  	[tilespmem:s23], [sflag:$0x6] =	stream.linear.gather [hbm4b:s7+s2], $0x100, $0x38;
	[tilespmem:$0x10200] =	vst v63  }
0x24: {  	_ =	swait.ge [sflag:s24], $0x100  }
0x25: {  	[sflag:s24] =	ssyncset.done $0x0  }
0x26: {  	[sflag:s24] =	ssyncadd.s32 $0xFFFFFF00  }
0x27: {  	[tilespmem:s25], [sflag:$0x2] =	stream.indirect.gather [hbm4b:s4+s20], $0x80, s23, s20, $0xb8;
	[tilespmem:$0x10200] =	vst v63  }
0x28: {  	_ = 	snop  }
0x29: {  	[tilespmem:s28], [sflag:$0x2] =	stream.indirect.gather [hbm4b:s4+s20], $0x80, s26, s20, $0xb8;
	[tilespmem:$0x10200] =	vst v63  }
0x2a: {  	_ =	swait.ge [sflag:s29], $0x4000  }
0x2b: {  	[sflag:s29] =	ssyncset.done $0x0  }
0x2c: {  	[sflag:s29] =	ssyncadd.s32 $0xFFFFC000  }
0x2d: {  	_ =	swait.ge [sflag:s29], $0x4000  }
0x2e: {  	[sflag:s29] =	ssyncset.done $0x0  }
0x2f: {  	s8 =	sadd.s32 $0xFFFFF000, s16;
	s6 =	sshrl.u32 s18, $0x3;
	[sflag:s29] =	ssyncadd.s32 $0xFFFFC000  }
0x30: {  	[hbm4b:s8+s2] =	stream.linear.scatter [tilespmem:s21], [sflag:$0x3], $0x8000, $0x38;
	[tilespmem:$0x10200] =	vst v63  }
0x31: {  	s9 =	sadd.s32 s3, s6  }
0x32: {  	[tilespmem:s2], [sflag:$0x5] =	stream.linear.gather [hbm4b:s9+s2], $0x100, $0x38;
	[tilespmem:$0x10200] =	vst v63  }
0x33: {  	_ =	swait.ge [sflag:s19], $0x100  }
0x34: {  	[sflag:s19] =	ssyncset.done $0x0  }
0x35: {  	[sflag:s19] =	ssyncadd.s32 $0xFFFFFF00  }
0x36: {  	_ =	swait.ge [sflag:s30], $0x8000  }
0x37: {  	[sflag:s30] =	ssyncset.done $0x0  }
0x38: {  	[sflag:s30] =	ssyncadd.s32 $0xFFFF8000  }
0x39: {  	[tilespmem:s21], [sflag:$0x1] =	stream.indirect.gather [hbm4b:s4+s20], $0x80, s2, s20, $0xb8;
	[tilespmem:$0x10200] =	vst v63  }
0x3a: {  	_ = 	snop  }
0x3b: {  	[tilespmem:s22], [sflag:$0x1] =	stream.indirect.gather [hbm4b:s4+s20], $0x80, s20, s20, $0xb8;
	[tilespmem:$0x10200] =	vst v63  }
0x3c: {  	_ =	swait.ge [sflag:s31], $0x4000  }
0x3d: {  	[sflag:s31] =	ssyncset.done $0x0  }
0x3e: {  	[sflag:s31] =	ssyncadd.s32 $0xFFFFC000  }
0x3f: {  	_ =	swait.ge [sflag:s31], $0x4000  }
0x40: {  	[sflag:s31] =	ssyncset.done $0x0  }
0x41: {  	[sflag:s31] =	ssyncadd.s32 $0xFFFFC000  }
0x42: {  	[hbm4b:s16+s2] =	stream.linear.scatter [tilespmem:s25], [sflag:$0x4], $0x8000, $0x38;
	[tilespmem:$0x10200] =	vst v63  }
0x43: {  	s10 =	sadd.s32 $0x0, s17  }
0x44: {  	[tilespmem:s23], [sflag:$0x6] =	stream.linear.gather [hbm4b:s10+s2], $0x100, $0x38;
	[tilespmem:$0x10200] =	vst v63  }
0x45: {  	_ =	swait.ge [sflag:s24], $0x100  }
0x46: {  	[sflag:s24] =	ssyncset.done $0x0  }
0x47: {  	[sflag:s24] =	ssyncadd.s32 $0xFFFFFF00  }
0x48: {  	_ =	swait.ge [sflag:s1], $0x8000  }
0x49: {  	s6 =	simm.s32 $0x40;
	[sflag:s1] =	ssyncset.done $0x0  }
0x4a: {  	s5 =	sadd.s32 $0x200, s18;
	s7 =	sadd.s32 $0x2000, s16;
	[sflag:s1] =	ssyncadd.s32 $0xFFFF8000  }
0x4b: {  	[tilespmem:s25], [sflag:$0x2] =	stream.indirect.gather [hbm4b:s4+s20], $0x80, s23, s20, $0xb8;
	[tilespmem:$0x10200] =	vst v63  }
.LBB2_2:
0x4c: {  	[tilespmem:s28], [sflag:$0x2] =	stream.indirect.gather [hbm4b:s4+s20], $0x80, s26, s20, $0xb8;
	[tilespmem:$0x10200] =	vst v63  }
0x4d: {  	s8 =	smov.u32 s6  }
0x4e: {  	p0 =	sne.s32 s6, $0x240;
	s6 =	sadd.s32 $0x40, s6;
	_ =	swait.ge [sflag:s29], $0x4000  }
0x4f: {  	[sflag:s29] =	ssyncset.done $0x0  }
0x50: {  	[sflag:s29] =	ssyncadd.s32 $0xFFFFC000  }
0x51: {  	_ =	swait.ge [sflag:s29], $0x4000  }
0x52: {  	[sflag:s29] =	ssyncset.done $0x0  }
0x53: {  	s9 =	sadd.s32 $0xFFFFF000, s7;
	s10 =	sshrl.u32 s5, $0x3;
	[sflag:s29] =	ssyncadd.s32 $0xFFFFC000  }
0x54: {  	[hbm4b:s9+s2] =	stream.linear.scatter [tilespmem:s21], [sflag:$0x3], $0x8000, $0x38;
	[tilespmem:$0x10200] =	vst v63  }
0x55: {  	s9 =	sadd.s32 s3, s10  }
0x56: {  	[tilespmem:s2], [sflag:$0x5] =	stream.linear.gather [hbm4b:s9+s2], $0x100, $0x38;
	[tilespmem:$0x10200] =	vst v63  }
0x57: {  	_ =	swait.ge [sflag:s19], $0x100  }
0x58: {  	[sflag:s19] =	ssyncset.done $0x0  }
0x59: {  	[sflag:s19] =	ssyncadd.s32 $0xFFFFFF00  }
0x5a: {  	_ =	swait.ge [sflag:s30], $0x8000  }
0x5b: {  	[sflag:s30] =	ssyncset.done $0x0  }
0x5c: {  	[sflag:s30] =	ssyncadd.s32 $0xFFFF8000  }
0x5d: {  	[tilespmem:s21], [sflag:$0x1] =	stream.indirect.gather [hbm4b:s4+s20], $0x80, s2, s20, $0xb8;
	[tilespmem:$0x10200] =	vst v63  }
0x5e: {  	_ = 	snop  }
0x5f: {  	[tilespmem:s22], [sflag:$0x1] =	stream.indirect.gather [hbm4b:s4+s20], $0x80, s20, s20, $0xb8;
	[tilespmem:$0x10200] =	vst v63  }
0x60: {  	_ =	swait.ge [sflag:s31], $0x4000  }
0x61: {  	[sflag:s31] =	ssyncset.done $0x0  }
0x62: {  	[sflag:s31] =	ssyncadd.s32 $0xFFFFC000  }
0x63: {  	_ =	swait.ge [sflag:s31], $0x4000  }
0x64: {  	[sflag:s31] =	ssyncset.done $0x0  }
0x65: {  	[sflag:s31] =	ssyncadd.s32 $0xFFFFC000  }
0x66: {  	[hbm4b:s7+s2] =	stream.linear.scatter [tilespmem:s25], [sflag:$0x4], $0x8000, $0x38;
	[tilespmem:$0x10200] =	vst v63  }
0x67: {  	s8 =	sadd.s32 s8, s17  }
0x68: {  	[tilespmem:s23], [sflag:$0x6] =	stream.linear.gather [hbm4b:s8+s2], $0x100, $0x38;
	[tilespmem:$0x10200] =	vst v63  }
0x69: {  	_ =	swait.ge [sflag:s24], $0x100  }
0x6a: {  	[sflag:s24] =	ssyncset.done $0x0  }
0x6b: {  	[sflag:s24] =	ssyncadd.s32 $0xFFFFFF00  }
.Ltmp0:
0x6c: {  	_ =	swait.ge [sflag:s1], $0x8000;
	(pc) =	sbr.rel @p0 .LBB2_2-.Ltmp0, $4  }
0x6d: {  	[sflag:s1] =	ssyncset.done $0x0  }
0x6e: {  	[sflag:s1] =	ssyncadd.s32 $0xFFFF8000  }
0x6f: {  	[tilespmem:s25], [sflag:$0x2] =	stream.indirect.gather [hbm4b:s4+s20], $0x80, s23, s20, $0xb8;
	[tilespmem:$0x10200] =	vst v63  }
0x70: {  	s5 =	sadd.s32 $0x200, s5;
	s7 =	sadd.s32 $0x2000, s7  }
0x71: {  	[tilespmem:s28], [sflag:$0x2] =	stream.indirect.gather [hbm4b:s4+s20], $0x80, s26, s20, $0xb8;
	[tilespmem:$0x10200] =	vst v63  }
0x72: {  	_ =	swait.ge [sflag:s29], $0x4000  }
0x73: {  	[sflag:s29] =	ssyncset.done $0x0  }
0x74: {  	[sflag:s29] =	ssyncadd.s32 $0xFFFFC000  }
0x75: {  	_ =	swait.ge [sflag:s29], $0x4000  }
0x76: {  	[sflag:s29] =	ssyncset.done $0x0  }
0x77: {  	s5 =	rddreg [dreg:$0x5];
	[sflag:s29] =	ssyncadd.s32 $0xFFFFC000  }
0x78: {  	[hbm4b:s5+s2] =	stream.linear.scatter [tilespmem:s21], [sflag:$0x3], $0x8000, $0x38;
	[tilespmem:$0x10200] =	vst v63  }
0x79: {  	s8 =	rddreg [dreg:$0x6]  }
0x7a: {  	[tilespmem:s2], [sflag:$0x5] =	stream.linear.gather [hbm4b:s8+s2], $0x100, $0x38;
	[tilespmem:$0x10200] =	vst v63  }
0x7b: {  	_ =	swait.ge [sflag:s19], $0x100  }
0x7c: {  	[sflag:s19] =	ssyncset.done $0x0  }
0x7d: {  	[sflag:s19] =	ssyncadd.s32 $0xFFFFFF00  }
0x7e: {  	_ =	swait.ge [sflag:s30], $0x8000  }
0x7f: {  	[sflag:s30] =	ssyncset.done $0x0  }
0x80: {  	[sflag:s30] =	ssyncadd.s32 $0xFFFF8000  }
0x81: {  	[tilespmem:s21], [sflag:$0x1] =	stream.indirect.gather [hbm4b:s4+s20], $0x80, s2, s20, $0xb8;
	[tilespmem:$0x10200] =	vst v63  }
0x82: {  	_ = 	snop  }
0x83: {  	[tilespmem:s22], [sflag:$0x1] =	stream.indirect.gather [hbm4b:s4+s20], $0x80, s20, s20, $0xb8;
	[tilespmem:$0x10200] =	vst v63  }
0x84: {  	_ =	swait.ge [sflag:s31], $0x4000  }
0x85: {  	[sflag:s31] =	ssyncset.done $0x0  }
0x86: {  	[sflag:s31] =	ssyncadd.s32 $0xFFFFC000  }
0x87: {  	_ =	swait.ge [sflag:s31], $0x4000  }
0x88: {  	[sflag:s31] =	ssyncset.done $0x0  }
0x89: {  	s9 =	rddreg [dreg:$0x7];
	[sflag:s31] =	ssyncadd.s32 $0xFFFFC000  }
0x8a: {  	[hbm4b:s9+s2] =	stream.linear.scatter [tilespmem:s25], [sflag:$0x4], $0x8000, $0x38;
	[tilespmem:$0x10200] =	vst v63  }
0x8b: {  	s10 =	rddreg [dreg:$0x8]  }
0x8c: {  	[tilespmem:s23], [sflag:$0x6] =	stream.linear.gather [hbm4b:s10+s2], $0x100, $0x38;
	[tilespmem:$0x10200] =	vst v63  }
0x8d: {  	_ =	swait.ge [sflag:s24], $0x100  }
0x8e: {  	[sflag:s24] =	ssyncset.done $0x0  }
0x8f: {  	[sflag:s24] =	ssyncadd.s32 $0xFFFFFF00  }
0x90: {  	_ =	swait.ge [sflag:s1], $0x8000  }
0x91: {  	[sflag:s1] =	ssyncset.done $0x0  }
0x92: {  	[sflag:s1] =	ssyncadd.s32 $0xFFFF8000  }
0x93: {  	[tilespmem:s25], [sflag:$0x2] =	stream.indirect.gather [hbm4b:s4+s20], $0x80, s23, s20, $0xb8;
	[tilespmem:$0x10200] =	vst v63  }
0x94: {  	_ = 	snop  }
0x95: {  	[tilespmem:s28], [sflag:$0x2] =	stream.indirect.gather [hbm4b:s4+s20], $0x80, s26, s20, $0xb8;
	[tilespmem:$0x10200] =	vst v63  }
0x96: {  	_ =	swait.ge [sflag:s29], $0x4000  }
0x97: {  	[sflag:s29] =	ssyncset.done $0x0  }
0x98: {  	[sflag:s29] =	ssyncadd.s32 $0xFFFFC000  }
0x99: {  	_ =	swait.ge [sflag:s29], $0x4000  }
0x9a: {  	[sflag:s29] =	ssyncset.done $0x0  }
0x9b: {  	[sflag:s29] =	ssyncadd.s32 $0xFFFFC000  }
0x9c: {  	[hbm4b:s11+s2] =	stream.linear.scatter [tilespmem:s21], [sflag:$0x3], $0x8000, $0x38;
	[tilespmem:$0x10200] =	vst v63  }
0x9d: {  	_ = 	snop  }
0x9e: {  	[tilespmem:s2], [sflag:$0x5] =	stream.linear.gather [hbm4b:s12+s2], $0x100, $0x38;
	[tilespmem:$0x10200] =	vst v63  }
0x9f: {  	_ =	swait.ge [sflag:s19], $0x100  }
0xa0: {  	[sflag:s19] =	ssyncset.done $0x0  }
0xa1: {  	[sflag:s19] =	ssyncadd.s32 $0xFFFFFF00  }
0xa2: {  	_ =	swait.ge [sflag:s30], $0x8000  }
0xa3: {  	[sflag:s30] =	ssyncset.done $0x0  }
0xa4: {  	[sflag:s30] =	ssyncadd.s32 $0xFFFF8000  }
0xa5: {  	[tilespmem:s21], [sflag:$0x1] =	stream.indirect.gather [hbm4b:s4+s20], $0x80, s2, s20, $0xb8;
	[tilespmem:$0x10200] =	vst v63  }
0xa6: {  	_ = 	snop  }
0xa7: {  	[tilespmem:s22], [sflag:$0x1] =	stream.indirect.gather [hbm4b:s4+s20], $0x80, s20, s20, $0xb8;
	[tilespmem:$0x10200] =	vst v63  }
0xa8: {  	_ =	swait.ge [sflag:s31], $0x4000  }
0xa9: {  	[sflag:s31] =	ssyncset.done $0x0  }
0xaa: {  	[sflag:s31] =	ssyncadd.s32 $0xFFFFC000  }
0xab: {  	_ =	swait.ge [sflag:s31], $0x4000  }
0xac: {  	[sflag:s31] =	ssyncset.done $0x0  }
0xad: {  	[sflag:s31] =	ssyncadd.s32 $0xFFFFC000  }
0xae: {  	[hbm4b:s13+s2] =	stream.linear.scatter [tilespmem:s25], [sflag:$0x4], $0x8000, $0x38;
	[tilespmem:$0x10200] =	vst v63  }
0xaf: {  	_ =	swait.ge [sflag:s1], $0x8000  }
0xb0: {  	[sflag:s1] =	ssyncset.done $0x0  }
0xb1: {  	[sflag:s1] =	ssyncadd.s32 $0xFFFF8000  }
0xb2: {  	_ =	swait.ge [sflag:s29], $0x4000  }
0xb3: {  	[sflag:s29] =	ssyncset.done $0x0  }
0xb4: {  	[sflag:s29] =	ssyncadd.s32 $0xFFFFC000  }
0xb5: {  	s0 =	sadd.s32 $0x1, s0;
	_ =	swait.ge [sflag:s29], $0x4000  }
0xb6: {  	p0 =	sne.s32 s0, s15;
	[sflag:s29] =	ssyncset.done $0x0  }
.Ltmp1:
0xb7: {  	[sflag:s29] =	ssyncadd.s32 $0xFFFFC000;
	(pc) =	sbr.rel @p0 .LBB2_1-.Ltmp1, $4  }
0xb8: {  	[hbm4b:s14+s2] =	stream.linear.scatter [tilespmem:s21], [sflag:$0x3], $0x8000, $0x38;
	[tilespmem:$0x10200] =	vst v63  }
0xb9: {  	_ =	swait.ge [sflag:s30], $0x8000  }
0xba: {  	[sflag:s30] =	ssyncset.done $0x0  }
0xbb: {  	[sflag:s30] =	ssyncadd.s32 $0xFFFF8000  }
0xbc: {  	_ =	sfence.sel $0x180000  }
0xbd: {  	[bflag:$0x0] =	sbarrier.arrive $0xFFFF  }
0xbe: {  	_ =	strace $0x90000047  }
0xbf: {  	s0 =	stileid.u32;
	[bflag:$0x2] =	sbarrier.arrive $0xFFFF  }
0xc0: {  	p0 =	sne.s32 s0, $0x0;
	s0 =	rddreg [dreg:$0x2]  }
0xc1: {  	s0 =	sadd.s32 @!p0 $0x100000, s0  }
0xc2: {  	[sflag:s0] =	ssyncadd.tile.s32 @!p0 $0x1;
	_ =	shalt  }
.Lfunc_end2:
_tile_overlayer_lowered:
.L_overlay_start_2:
0xc3: {  	(tag) =	ssettag $0x2  }
0xc4: {  	s0 =	rddreg [dreg:$0x0];
	s2 =	stileid.u32  }
0xc5: {  	s1 =	rddreg [dreg:$0x1];
	p0 =	sne.s32 s2, $0x0  }
0xc6: {  	s3 =	rddreg [dreg:$0x2];
	[bflag:$0x3] =	sbarrier.arrive $0xFFFF;
	s2 =	simm.s32 @!p0 $0x1C07  }
0xc7: {  	[timem:s3], [sflag:s2] =	dma.local @!p0 [hbm:s0], s1  }
0xc8: {  	s0 =	simm.s32 @!p0 $0x7  }
0xc9: {  	_ =	swait.ge @!p0 [sflag:s0], s1  }
0xca: {  	s1 =	ssub.s32 @!p0 $0x0, s1;
	[sflag:s0] =	ssyncset.done @!p0 $0x0  }
0xcb: {  	[sflag:s0] =	ssyncadd.s32 @!p0 s1  }
0xcc: {  	[bflag:$0x3] =	sbarrier.arrive $0xFFFF  }
0xcd: {  	_ =	shalt  }

// kernel: sparse-core-data-format-call.cloned.1.call-start
scs
called_computation_lowered:
.L_overlay_start_0:
0x0: {  	s2 =	sld [smem:$0x3FD9]  }
0x1: {  	s3 =	sld [smem:$0x3FFE];
	_ =	sdelay $0x1  }
0x2: {  	s1 =	srdreg.scid  }
0x3: {  	s0 =	sand.u32 $0x1, s1  }
0x4: {  	s18 =	sshll.u32 s0, $0xA;
	s2 =	sadd.s32 s3, s2  }
0x5: {  	s2 =	sadd.s32 s2, s18  }
0x6: {  	[smem:$0x3FC1] =	sst s2  }
0x7: {  	_ = 	snop  }
0x8: {  	s2 =	sld [smem:$0x3FD0];
	(tm) =	ssettm $0x1  }
0x9: {  	s19 =	sld [smem:$0x3FFB];
	_ =	sdelay $0x3  }
0xa: {  	_ =	strace s19  }
0xb: {  	s3 =	sld [smem:$0x3FFC];
	_ =	sdelay $0x3  }
0xc: {  	_ =	strace s3  }
0xd: {  	s3 =	sld [smem:$0x3FFD];
	_ =	sdelay $0x3  }
0xe: {  	_ =	strace s3  }
0xf: {  	_ =	strace $0x8FFFFFFF  }
0x10: {  	s20 =	sld [smem:$0x3FDB];
	_ =	sdelay $0x1  }
0x11: {  	s4 =	simm.s32 $_scs_section_size  }
0x12: {  	s5 =	simm.s32 $_size__tile_overlayer_lowered;
	s6 =	simm.s32 $_tile_overlayer_lowered  }
0x13: {  	s23 =	simm.s32 $0x1BFF;
	s22 =	sshll.u32 s6, $0x1;
	s3 =	sadd.s32 s4, s20  }
0x14: {  	s7 =	simm.s32 $0x0;
	s21 =	sshll.u32 s5, $0x1;
	s5 =	sadd.s32 s22, s3  }
0x15: {  	[timem:s7], [sflag:s23] =	dma.local [hbm:s5], s21  }
0x16: {  	_ =	swait.ge [sflag:s23], s21  }
0x17: {  	s4 =	ssub.s32 $0x0, s21;
	[sflag:s23] =	ssyncset.done $0x0  }
0x18: {  	[sflag:s23] =	ssyncadd.s32 s4;
	_ =	sdelay $0x1  }
0x19: {  	s24 =	simm.s32 $0x1B8B  }
0x1a: {  	_ =	swait.ge [sflag:s24], $0x1  }
0x1b: {  	[sflag:s24] =	ssyncset.done $0x0  }
0x1c: {  	s26 =	simm.s32 $0x1B8E;
	s25 =	sld [smem:$0x3FFE];
	[sflag:s24] =	ssyncadd.s32 $0xFFFFFFFF  }
0x1d: {  	s27 =	simm.s32 $execute0_lowered;
	[smem:$0x3FD2] =	sst s26  }
0x1e: {  	s5 =	sshll.u32 s27, $0x1;
	_ =	strace $0x80000049;
	[dreg:$0x1] =	wrdreg $0xFFFFFFFF  }
0x1f: {  	s28 =	simm.s32 $_size_execute0_lowered;
	s3 =	sadd.s32 s3, s5;
	[dreg:$0x0] =	wrdreg $0x0  }
0x20: {  	s5 =	sshll.u32 s28, $0x1;
	[dreg:$0x2] =	wrdreg s3  }
0x21: {  	[dreg:$0x3] =	wrdreg s5  }
0x22: {  	[dreg:$0x4] =	wrdreg $0xC0  }
0x23: {  	_ =	task [dreg:s7], $0x5FFFF  }
0x24: {  	[dreg:$0x1] =	wrdreg $0xFFFFFFFF  }
0x25: {  	[dreg:$0x0] =	wrdreg $0x60  }
0x26: {  	[dreg:$0x2] =	wrdreg s25  }
0x27: {  	[dreg:$0x3] =	wrdreg s2  }
0x28: {  	[dreg:$0x4] =	wrdreg $0x9  }
0x29: {  	_ =	task.clear_ibuf [dreg:s7], $0x5FFFF;
	_ =	strace $0x90000049  }
0x2a: {  	s29 =	simm.s32 $0x9;
	_ =	strace $0x8000004B  }
0x2b: {  	_ =	swait.ge [sflag:s29], $0x1  }
0x2c: {  	[sflag:s29] =	ssyncadd.s32 $0xFFFFFFFF  }
0x2d: {  	_ =	strace $0x9000004B  }
0x2e: {  	_ =	sfence  }
0x2f: {  	s30 =	sld [smem:$0x0];
	_ =	sdelay $0x2  }
0x30: {  	s31 =	sshll.u32 s1, $0xD;
	s1 =	sshrl.u32 s1, $0x2  }
0x31: {  	s3 =	sand.u32 $0x4000, s31;
	s1 =	sadd.s32 s1, s30  }
0x32: {  	s0 =	sor.u32 s3, s0;
	s1 =	sshll.u32 s1, $0x11  }
0x33: {  	s0 =	sor.u32 s1, s0  }
0x34: {  	s0 =	sadd.s32 $0x8F2B, s0  }
0x35: {  	[sflag:s0] =	ssyncadd.remote.s32 $0x1  }
0x36: {  	_ =	sfence.sel $0xFFFF  }
0x37: {  	[dreg:$0x0] =	wrdreg $0xFFFFFFFF;
	(pc) =	sbr.abs _section_cstart, $3  }
0x38: {  	[dreg:$0x1] =	wrdreg $0xFFFFFFFF  }
0x39: {  	_ =	task.clear_ibuf [dreg:s7], $0x2FFFF;
	_ =	strace $0x9FFFFFFF  }
0x3a: {  	(tm) =	ssettm $0x7FFFFFFF  }
0x3b: {  	_ =	shalt  }
tec
execute0_lowered:
.L_overlay_start_1:
0x0: {  	(tag) =	ssettag $0x1  }
0x1: {  	s0 =	srdreg.scid  }
0x2: {  	s1 =	sshll.u32 s0, $0x4  }
0x3: {  	s0 =	stileid.u32;
	s1 =	sand.u32 $0x10, s1  }
0x4: {  	s1 =	sor.u32 s0, s1  }
0x5: {  	s6 =	rddreg [dreg:$0x0];
	s4 =	simm.s32 $0x1;
	s2 =	sshll.u32 s1, $0x6  }
0x6: {  	s7 =	simm.s32 $0x2;
	s13 =	simm.s32 $0x0;
	s1 =	ssub.s32 $0x1000, s2  }
0x7: {  	s8 =	simm.s32 $0x2000;
	s9 =	simm.s32 $0x80000;
	s3 =	sand.u32 $0x7C0, s1  }
0x8: {  	s14 =	simm.s32 $0x0;
	s5 =	sshrl.u32 s1, $0xB;
	p0 =	sne.s32 s3, $0x0  }
.Ltmp0:
0x9: {  	s1 =	rddreg [dreg:$0x2];
	s4 =	simm.s32 @!p0 $0x0;
	(pc) =	sbr.rel .LBB1_1-.Ltmp0, $4  }
0xa: {  	s10 =	simm.s32 $0x0;
	s3 =	rddreg [dreg:$0x1];
	s5 =	sadd.s32 s4, s5  }
0xb: {  	_ =	strace $0x8000004A;
	s4 =	simm.s32 $0x1;
	s5 =	smul.u32 $0x19, s5  }
0xc: {  	s12 =	simm.s32 $0x0;
	s6 =	sadd.s32 $0x1000, s6;
	[sflag:s4] =	ssyncpa.u1 $0x0  }
0xd: {  	s11 =	smov.u32 s2;
	[sflag:s7] =	ssyncpa.u1 $0x0;
	s7 =	sadd.s32 $0x1, s5  }
.LBB1_7:
0xe: {  	s15 =	sadd.s32 $0x2, s10  }
0xf: {  	s13 =	sadd.s32 $0x800, s11;
	s17 =	smov.u32 s11;
	p1 =	sgt.s32 s15, $0x31  }
0x10: {  	s17 =	smov.u32 @p1 s13  }
0x11: {  	s15 =	simm.s32 @p1 $0x0;
	p1 =	sgt.s32 s17, $0xFFF  }
0x12: {  	s17 =	smov.u32 @p1 s2;
	p1 =	sne.s32 s12, s7  }
.Ltmp1:
0x13: {  	p0 =	slt.u32 s12, $0x2;
	(pc) =	sbr.rel @!p1 .LBB1_8-.Ltmp1, $4  }
0x14: {  	s16 =	simm.s32 @!p0 $0x2  }
0x15: {  	s14 =	smov.u32 s11;
	_ =	swait.ge @!p0 [sflag:s16], $0x4000  }
0x16: {  	s13 =	smov.u32 s10;
	[sflag:s16] =	ssyncset.done @!p0 $0x0;
	s10 =	smov.u32 s15  }
0x17: {  	s12 =	sadd.s32 $0x1, s12;
	[sflag:s16] =	ssyncadd.s32 @!p0 $0xFFFFC000;
	s11 =	smov.u32 s17  }
.LBB1_1:
0x18: {  	p0 =	sge.u32 s12, s5  }
0x19: {  	s15 =	sand.u32 @!p0 $0x1FFFFFF, s10  }
0x1a: {  	s16 =	smulhi.u32 @!p0 $0x4924925, s15;
	_ =	sdelay $0x1  }
0x1b: {  	s16 =	smul.u32 @!p0 $0x38, s16  }
0x1c: {  	s17 =	sxor.u32 @!p0 $0xFFFFFFFF, s12;
	s18 =	smul.u32 @!p0 $0x380, s11  }
0x1d: {  	s31 =	sadd.s32 $0xFFFFFFFF, s12;
	s17 =	sshll.u32 @!p0 s17, $0xE;
	s15 =	ssub.s32 @!p0 s15, s16  }
0x1e: {  	s16 =	sand.u32 @!p0 $0x4000, s17;
	s17 =	sadd.s32 @!p0 s6, s18;
	s15 =	sshll.u32 @!p0 s15, $0x4  }
0x1f: {  	s18 =	simm.s32 @!p0 $0x1C00;
	s15 =	sadd.s32 @!p0 s15, s17;
	s17 =	simm.s32 @!p0 $0x100  }
0x20: {  	[tilespmem:s16], [sflag:$0x1] =	stream.strided.gather @!p0 [hbm4b:s15+s17], $0x4000, s18, s17, $0x38;
	[tilespmem:$0x10000] =	vst v63  }
0x21: {  	p0 =	sge.u32 s31, s5  }
.Ltmp2:
0x22: {  	_ = 	snop;
	(pc) =	sbr.rel @p0 .LBB1_7-.Ltmp2, $1  }
0x23: {  	_ =	sdelay $0x3  }
0x24: {  	_ =	swait.ge [sflag:s4], $0x4000;
	s15 =	sshll.u32 s12, $0xE  }
0x25: {  	[sflag:s4] =	ssyncset.done $0x0;
	s16 =	sand.u32 $0x4000, s15  }
0x26: {  	s17 =	simm.s32 $0x0;
	[sflag:s4] =	ssyncadd.s32 $0xFFFFC000;
	s15 =	sor.u32 $0x8000, s16  }
.LBB1_3:
0x27: {  	s18 =	sshll.u32 s17, $0x8  }
0x28: {  	s18 =	sand.u32 $0x3FFFFF00, s18  }
0x29: {  	s19 =	sshll.u32 s17, $0x7;
	s18 =	sadd.s32 s18, s16  }
0x2a: {  	s19 =	sand.u32 $0x3FFFFF80, s19;
	v0 =	vmov s18  }
0x2b: {  	s19 =	sadd.s32 s19, s15  }
0x2c: {  	p0 =	por $0x1, $0x1;
	v1 =	vmov s19;
	s18 =	simm.s32 $0x0  }
.LBB1_4:
0x2d: {  	s19 =	sshll.u32 s18, $0x7  }
0x2e: {  	s19 =	sand.u32 $0x3FFFFF80, s19  }
0x2f: {  	v2 =	vld.idx.msk [tilespmem:v0+s19+$0x0 ss:$0x1], $0xffff  }
0x30: {  	v3 =	vld.idx.msk [tilespmem:v0+s19+$0x10 ss:$0x1], $0xffff  }
0x31: {  	v4 =	vld.idx.msk [tilespmem:v0+s19+$0x20 ss:$0x1], $0xffff  }
0x32: {  	s31 =	sshll.u32 s18, $0xD;
	v5 =	vld.idx.msk [tilespmem:v0+s19+$0x30 ss:$0x1], $0xffff  }
0x33: {  	s18 =	sand.u32 $0x3FFFE000, s31;
	v6 =	vld.idx.msk [tilespmem:v0+s19+$0x40 ss:$0x1], $0xffff  }
0x34: {  	v63 =	vld.idx.msk [tilespmem:v0+s19+$0x70 ss:$0x1], $0xffff;
	[tilespmem:v1+s18+$0x0 ss:$0x1] =	vst.idx.msk $0xffff, v2  }
0x35: {  	v2 =	vld.idx.msk [tilespmem:v0+s19+$0x50 ss:$0x1], $0xffff;
	[tilespmem:v1+s18+$0x10 ss:$0x1] =	vst.idx.msk $0xffff, v3  }
0x36: {  	p1 =	por p0, p0;
	v3 =	vld.idx.msk [tilespmem:v0+s19+$0x60 ss:$0x1], $0xffff;
	[tilespmem:v1+s18+$0x20 ss:$0x1] =	vst.idx.msk $0xffff, v4  }
.Ltmp3:
0x37: {  	[tilespmem:v1+s18+$0x30 ss:$0x1] =	vst.idx.msk $0xffff, v5;
	(pc) =	sbr.rel @p1 .LBB1_4-.Ltmp3, $4  }
0x38: {  	[tilespmem:v1+s18+$0x40 ss:$0x1] =	vst.idx.msk $0xffff, v6  }
0x39: {  	[tilespmem:v1+s18+$0x70 ss:$0x1] =	vst.idx.msk $0xffff, v63  }
0x3a: {  	[tilespmem:v1+s18+$0x50 ss:$0x1] =	vst.idx.msk $0xffff, v2  }
0x3b: {  	p0 =	por $0x0, $0x0;
	[tilespmem:v1+s18+$0x60 ss:$0x1] =	vst.idx.msk $0xffff, v3;
	s18 =	simm.s32 $0x1  }
0x3c: {  	s17 =	sadd.s32 $0x1, s17  }
0x3d: {  	p0 =	sne.s32 s17, $0x40  }
.Ltmp4:
0x3e: {  	_ = 	snop;
	(pc) =	sbr.rel @p0 .LBB1_3-.Ltmp4, $1  }
0x3f: {  	_ =	sdelay $0x3  }
.Ltmp5:
0x40: {  	s14 =	sshll.u32 s14, $0x4;
	(pc) =	sbr.rel .LBB1_7-.Ltmp5, $4  }
0x41: {  	s14 =	sand.u32 $0xFFF0, s14  }
0x42: {  	s13 =	sshll.u32 s13, $0x10;
	s14 =	sadd.s32 s3, s14  }
0x43: {  	s13 =	sadd.s32 s13, s14  }
0x44: {  	[hbm4b:s13+s8] =	stream.strided.scatter [tilespmem:s15], [sflag:$0x2], $0x4000, s9, s8, $0x38;
	[tilespmem:$0x10000] =	vst v63  }
.LBB1_8:
0x45: {  	_ =	sfence.sel $0x180000  }
0x46: {  	s2 =	simm.s32 $0x1;
	[bflag:$0x0] =	sbarrier.arrive $0xFFFF  }
0x47: {  	s31 =	simm.s32 $0x2;
	[sflag:s2] =	ssyncpa.u1 $0x1  }
0x48: {  	[sflag:s31] =	ssyncpa.u1 $0x1  }
0x49: {  	p0 =	sne.s32 s0, $0x0;
	_ =	strace $0x9000004A  }
0x4a: {  	s0 =	sadd.s32 @!p0 $0x100000, s1;
	[bflag:$0x2] =	sbarrier.arrive $0xFFFF  }
0x4b: {  	[sflag:s0] =	ssyncadd.tile.s32 @!p0 $0x1;
	_ =	shalt  }
.Lfunc_end1:
_tile_overlayer_lowered:
.L_overlay_start_2:
0x4c: {  	(tag) =	ssettag $0x2  }
0x4d: {  	s0 =	rddreg [dreg:$0x0];
	s2 =	stileid.u32  }
0x4e: {  	s1 =	rddreg [dreg:$0x1];
	p0 =	sne.s32 s2, $0x0  }
0x4f: {  	s3 =	rddreg [dreg:$0x2];
	[bflag:$0x3] =	sbarrier.arrive $0xFFFF;
	s2 =	simm.s32 @!p0 $0x1C01  }
0x50: {  	[timem:s3], [sflag:s2] =	dma.local @!p0 [hbm:s0], s1  }
0x51: {  	s0 =	simm.s32 @!p0 $0x1  }
0x52: {  	_ =	swait.ge @!p0 [sflag:s0], s1  }
0x53: {  	s1 =	ssub.s32 @!p0 $0x0, s1;
	[sflag:s0] =	ssyncset.done @!p0 $0x0  }
0x54: {  	[sflag:s0] =	ssyncadd.s32 @!p0 s1  }
0x55: {  	[bflag:$0x3] =	sbarrier.arrive $0xFFFF  }
0x56: {  	_ =	shalt  }

</sc_bundles>
